<compile_context>
chip_gen: v7x
topology: tpu7x:2x2x1
jax: 0.10.2.dev20260603
libtpu: 0.0.44.dev20260713+nightly
codegen_flags: <defaults>
</compile_context>

<pallas_src>
import jax
import jax.numpy as jnp
from jax import lax
from jax.experimental import pallas as pl
from jax.experimental.pallas import tpu as pltpu
import jax.experimental.pallas.tpu_sc as plsc

EMBED = 64
B = 4096
L = 20
PAIR = 2 * EMBED
TBL_ROWS = 1000000
TBL_PAIRS = TBL_ROWS // 2

NC = 2
NS = 16
NW = NC * NS
EX_PER_W = B // NW
CHUNK = 32
N_CHUNK = EX_PER_W // CHUNK
ROWS_PER_CHUNK = CHUNK * L
IDX_COLS = 128
IDX_ROWS = ROWS_PER_CHUNK // IDX_COLS


def _gather_jobs(jobs, idx_v, rows_v, sem):
    wid = lax.axis_index("s") * NC + lax.axis_index("c")

    for tbl, idx_hbm, out_hbm in jobs:
        def chunk_body(cidx, _, tbl=tbl, idx_hbm=idx_hbm, out_hbm=out_hbm):
            r0 = (wid * EX_PER_W + cidx * CHUNK) * L
            pltpu.sync_copy(idx_hbm.at[pl.ds(r0, ROWS_PER_CHUNK)], idx_v)
            for j in range(IDX_ROWS):
                pltpu.async_copy(tbl.at[idx_v.at[pl.ds(j * IDX_COLS, IDX_COLS)]],
                                 rows_v.at[pl.ds(j * IDX_COLS, IDX_COLS)], sem)
            for j in range(IDX_ROWS):
                pltpu.make_async_copy(tbl.at[idx_v.at[pl.ds(j * IDX_COLS, IDX_COLS)]],
                                      rows_v.at[pl.ds(j * IDX_COLS, IDX_COLS)],
                                      sem).wait()
            pltpu.sync_copy(rows_v, out_hbm.at[pl.ds(r0, ROWS_PER_CHUNK)])
            return 0

        lax.fori_loop(0, N_CHUNK, chunk_body, 0)


def _sc_all_body(mnt_mat, ent_mat, mnt_idx, pos_idx, neg_idx,
                 out_m, out_p, out_n, idx_v, rows_v, sem):
    _gather_jobs(((mnt_mat, mnt_idx, out_m),
                  (ent_mat, pos_idx, out_p),
                  (ent_mat, neg_idx, out_n)), idx_v, rows_v, sem)


_SC_SCRATCH = [
    pltpu.VMEM((ROWS_PER_CHUNK,), jnp.int32),
    pltpu.VMEM((ROWS_PER_CHUNK, PAIR), jnp.float32),
    pltpu.SemaphoreType.DMA,
]

_sc_all = pl.kernel(
    _sc_all_body,
    out_type=(jax.ShapeDtypeStruct((B * L, PAIR), jnp.float32),
              jax.ShapeDtypeStruct((B * L, PAIR), jnp.float32),
              jax.ShapeDtypeStruct((B * L, PAIR), jnp.float32)),
    mesh=plsc.VectorSubcoreMesh(core_axis_name="c", subcore_axis_name="s"),
    scratch_types=_SC_SCRATCH,
)


def _tc_finish_body(gm_ref, gp_ref, gn_ref, hm_ref, hp_ref, hn_ref,
                    mb_ref, eb_ref, sp_ref, sn_ref):
    def pick(g_ref, h_ref):
        g = g_ref[...]
        h = h_ref[...][..., None]
        return jnp.where(h == 1, g[:, :, EMBED:], g[:, :, :EMBED])

    m = jnp.tanh(jnp.sum(pick(gm_ref, hm_ref), axis=1) + mb_ref[...])
    p = jnp.tanh(jnp.sum(pick(gp_ref, hp_ref), axis=1) + eb_ref[...])
    n = jnp.tanh(jnp.sum(pick(gn_ref, hn_ref), axis=1) + eb_ref[...])
    eps = 1e-12
    rm = lax.rsqrt(jnp.maximum(jnp.sum(m * m, axis=1), eps))
    rp = lax.rsqrt(jnp.maximum(jnp.sum(p * p, axis=1), eps))
    rn = lax.rsqrt(jnp.maximum(jnp.sum(n * n, axis=1), eps))
    mp = jnp.sum(m * p, axis=1)
    mn = jnp.sum(m * n, axis=1)
    sp_ref[...] = -(mp * rm * rp)
    sn_ref[...] = -(mn * rm * rn)


_TC_BLK = 256


def _tc_finish(gm, gp, gn, hm, hp, hn, mb, eb):
    grid = B // _TC_BLK
    g_spec = pl.BlockSpec((_TC_BLK, L, PAIR), lambda i: (i, 0, 0))
    h_spec = pl.BlockSpec((_TC_BLK, L), lambda i: (i, 0))
    bias_spec = pl.BlockSpec((1, EMBED), lambda i: (0, 0))
    out_spec = pl.BlockSpec((_TC_BLK,), lambda i: (i,))
    return pl.pallas_call(
        _tc_finish_body,
        grid=(grid,),
        in_specs=[g_spec, g_spec, g_spec, h_spec, h_spec, h_spec,
                  bias_spec, bias_spec],
        out_specs=[out_spec, out_spec],
        out_shape=[jax.ShapeDtypeStruct((B,), jnp.float32),
                   jax.ShapeDtypeStruct((B,), jnp.float32)],
    )(gm, gp, gn, hm, hp, hn, mb, eb)


def kernel(mention_idx, ent_pos_idx, ent_neg_idx, mnt_matrix, ent_matrix,
           mnt_bias, ent_bias):
    mi = mention_idx.astype(jnp.int32).reshape(B * L)
    pi = ent_pos_idx.astype(jnp.int32).reshape(B * L)
    ni = ent_neg_idx.astype(jnp.int32).reshape(B * L)
    gm, gp, gn = _sc_all(mnt_matrix.reshape(TBL_PAIRS, PAIR),
                         ent_matrix.reshape(TBL_PAIRS, PAIR),
                         mi >> 1, pi >> 1, ni >> 1)
    sp, sn = _tc_finish(gm.reshape(B, L, PAIR), gp.reshape(B, L, PAIR),
                        gn.reshape(B, L, PAIR),
                        (mi & 1).reshape(B, L), (pi & 1).reshape(B, L),
                        (ni & 1).reshape(B, L),
                        mnt_bias.reshape(1, EMBED), ent_bias.reshape(1, EMBED))
    return sp, sn

# --- scband reference (transcript-rebuilt; emitter-appended) ---
"""Pipeline reference for scband-speller-89249420411621 (READ-ONLY COPY).

The authoritative reference and input builder live on the scoring server;
editing this copy changes nothing except your own understanding.
"""

import jax, jax.numpy as jnp
import numpy as np

MNT_SIZE = 1000000
ENT_SIZE = 1000000
EMBED = 64
B = 4096
L = 20


def _glorot(key, shape):
    limit = float(np.sqrt(6.0 / (shape[0] + shape[1])))
    return jax.random.uniform(key, shape, minval=-limit, maxval=limit, dtype=jnp.float32)


def setup_inputs(seed: int = 0) -> dict:
    key = jax.random.key(seed)
    k1, k2, k3, k4, k5 = jax.random.split(key, 5)
    mention_idx = jax.random.randint(k1, (B, L), 0, MNT_SIZE)
    ent_pos_idx = jax.random.randint(k2, (B, L), 0, ENT_SIZE)
    ent_neg_idx = jax.random.randint(k3, (B, L), 0, ENT_SIZE)
    mnt_matrix = _glorot(k4, (MNT_SIZE, EMBED))
    ent_matrix = _glorot(k5, (ENT_SIZE, EMBED))
    mnt_bias = jnp.zeros((EMBED,), dtype=jnp.float32)
    ent_bias = jnp.zeros((EMBED,), dtype=jnp.float32)
    return {
        "mention_idx": mention_idx,
        "ent_pos_idx": ent_pos_idx,
        "ent_neg_idx": ent_neg_idx,
        "mnt_matrix": mnt_matrix,
        "ent_matrix": ent_matrix,
        "mnt_bias": mnt_bias,
        "ent_bias": ent_bias,
    }


def _l2_normalize(x, axis=-1, eps=1e-12):
    sq = jnp.sum(jnp.square(x), axis=axis, keepdims=True)
    return x * jax.lax.rsqrt(jnp.maximum(sq, eps))


def _cosine_similarity_keras(a, b, axis=-1):
    # tf.keras.losses.cosine_similarity returns NEGATIVE cosine similarity
    a_n = _l2_normalize(a, axis=axis)
    b_n = _l2_normalize(b, axis=axis)
    return -jnp.sum(a_n * b_n, axis=axis)


def reference(mention_idx, ent_pos_idx, ent_neg_idx, mnt_matrix, ent_matrix, mnt_bias, ent_bias):
    # embedding_lookup_sparse with combiner='sum' == sum of gathered rows per example
    mnt_embed = jnp.take(mnt_matrix, mention_idx, axis=0).sum(axis=1)
    mnt_embed = jnp.tanh(mnt_embed + mnt_bias)
    pos_ent_embed = jnp.take(ent_matrix, ent_pos_idx, axis=0).sum(axis=1)
    pos_ent_embed = jnp.tanh(pos_ent_embed + ent_bias)
    neg_ent_embed = jnp.take(ent_matrix, ent_neg_idx, axis=0).sum(axis=1)
    neg_ent_embed = jnp.tanh(neg_ent_embed + ent_bias)
    sim_mnt_pos = _cosine_similarity_keras(mnt_embed, pos_ent_embed, axis=-1)
    sim_mnt_neg = _cosine_similarity_keras(mnt_embed, neg_ent_embed, axis=-1)
    return (sim_mnt_pos, sim_mnt_neg)

if __name__ == "__main__":
    import jax
    _d = setup_inputs()
    print(jax.jit(kernel)(*tuple(_d.values())))

</pallas_src>

<mosaic_0001>
#map = affine_map<(d0, d1) -> (0, 0)>
#map1 = affine_map<(d0, d1) -> (0)>
module attributes {stable_mosaic.version = 14 : i64} {
  func.func @_sc_all_body(%arg0: i32, %arg1: i32, %arg2: memref<500000x128xf32, #tpu.memory_space<hbm>>, %arg3: memref<500000x128xf32, #tpu.memory_space<hbm>>, %arg4: memref<81920xi32, #tpu.memory_space<hbm>>, %arg5: memref<81920xi32, #tpu.memory_space<hbm>>, %arg6: memref<81920xi32, #tpu.memory_space<hbm>>, %arg7: memref<81920x128xf32, #tpu.memory_space<hbm>>, %arg8: memref<81920x128xf32, #tpu.memory_space<hbm>>, %arg9: memref<81920x128xf32, #tpu.memory_space<hbm>>, %arg10: memref<640xi32, #tpu.memory_space<vmem>>, %arg11: memref<640x128xf32, #tpu.memory_space<vmem>>, %arg12: memref<!tpu.dma_semaphore, #tpu.memory_space<semaphore_mem>>) attributes {dimension_semantics = [#tpu.dimension_semantics<core_parallel>, #tpu.dimension_semantics<subcore_parallel>], iteration_bounds = array<i64: 2, 16>, scalar_prefetch = 0 : i64, scratch_operands = 3 : i64, tpu.core_type = #tpu.core_type<sc_vector_subcore>, window_params = [{transform_indices = #map}, {transform_indices = #map}, {transform_indices = #map1}, {transform_indices = #map1}, {transform_indices = #map1}, {transform_indices = #map}, {transform_indices = #map}, {transform_indices = #map}]} {
    %mul3A = arith.constant 2 : i32
    %mul3A_0 = arith.muli %arg1, %mul3A : i32
    %add3A = arith.addi %mul3A_0, %arg0 : i32
    %scan3A = arith.constant 0 : i32
    %scan3A_1 = arith.constant 0 : i32
    %scan3A_2 = arith.constant 4 : i32
    %scan3A_3 = arith.addi %scan3A_1, %scan3A_2 : i32
    %scan3A_4 = arith.constant 1 : i32
    %scan3A_5 = scf.for %scan3A_21 = %scan3A_1 to %scan3A_3 step %scan3A_4 iter_args(%scan3A_22 = %scan3A) -> (i32)  : i32 {
      %mul3A_23 = arith.constant 128 : i32
      %mul3A_24 = arith.muli %add3A, %mul3A_23 : i32
      %mul3A_25 = arith.constant 32 : i32
      %mul3A_26 = arith.muli %scan3A_21, %mul3A_25 : i32
      %add3A_27 = arith.addi %mul3A_24, %mul3A_26 : i32
      %mul3A_28 = arith.constant 20 : i32
      %mul3A_29 = arith.muli %add3A_27, %mul3A_28 : i32
      "tpu.region"() ({
        %run_scoped3A = tpu.sem_alloc : memref<!tpu.dma_semaphore, #tpu.memory_space<semaphore_mem>>
        %dma_start3A_109 = tpu.memref_slice %arg4[%mul3A_29] : memref<81920xi32, #tpu.memory_space<hbm>> -> memref<640xi32, #tpu.memory_space<hbm>>
        %dma_start3A_110 = tpu.memref_slice %arg4[%mul3A_29] : memref<81920xi32, #tpu.memory_space<hbm>> -> memref<640xi32, #tpu.memory_space<hbm>>
        tpu.enqueue_dma source(%dma_start3A_110 : memref<640xi32, #tpu.memory_space<hbm>>) target(%arg10 : memref<640xi32, #tpu.memory_space<vmem>>) target_semaphore(%run_scoped3A : memref<!tpu.dma_semaphore, #tpu.memory_space<semaphore_mem>>)
        %dma_wait3A_111 = tpu.memref_slice %arg4[%mul3A_29] : memref<81920xi32, #tpu.memory_space<hbm>> -> memref<640xi32, #tpu.memory_space<hbm>>
        %dma_wait3A_112 = tpu.memref_slice %arg4[%mul3A_29] : memref<81920xi32, #tpu.memory_space<hbm>> -> memref<640xi32, #tpu.memory_space<hbm>>
        tpu.wait_dma2 semaphore(%run_scoped3A : memref<!tpu.dma_semaphore, #tpu.memory_space<semaphore_mem>>) src(%dma_wait3A_112 : memref<640xi32, #tpu.memory_space<hbm>>) dst(%arg10 : memref<640xi32, #tpu.memory_space<vmem>>)
        tpu.yield
      }) : () -> ()
      %dma_start3A = arith.constant 0 : i32
      %dma_start3A_30 = arith.constant 0 : i32
      %dma_start3A_31 = tpu.memref_slice %arg11[%dma_start3A, %dma_start3A_30] : memref<640x128xf32, #tpu.memory_space<vmem>> -> memref<128x128xf32, #tpu.memory_space<vmem>>
      %dma_start3A_32 = arith.constant 0 : i32
      %dma_start3A_33 = tpu.memref_slice %arg10[%dma_start3A_32] : memref<640xi32, #tpu.memory_space<vmem>> -> memref<128xi32, #tpu.memory_space<vmem>>
      %dma_start3A_34 = arith.constant 0 : i32
      %dma_start3A_35 = arith.constant 0 : i32
      %dma_start3A_36 = tpu.memref_slice %arg2[%dma_start3A_34, %dma_start3A_35] : memref<500000x128xf32, #tpu.memory_space<hbm>> -> memref<500000x128xf32, #tpu.memory_space<hbm>>
      tpu.enqueue_indirect_dma source(%dma_start3A_36 : memref<500000x128xf32, #tpu.memory_space<hbm>>) target(%dma_start3A_31 : memref<128x128xf32, #tpu.memory_space<vmem>>) offsets(%dma_start3A_33 : memref<128xi32, #tpu.memory_space<vmem>>) semaphore(%arg12 : memref<!tpu.dma_semaphore, #tpu.memory_space<semaphore_mem>>)
      %dma_start3A_37 = arith.constant 128 : i32
      %dma_start3A_38 = arith.constant 0 : i32
      %dma_start3A_39 = tpu.memref_slice %arg11[%dma_start3A_37, %dma_start3A_38] : memref<640x128xf32, #tpu.memory_space<vmem>> -> memref<128x128xf32, #tpu.memory_space<vmem>>
      %dma_start3A_40 = arith.constant 128 : i32
      %dma_start3A_41 = tpu.memref_slice %arg10[%dma_start3A_40] : memref<640xi32, #tpu.memory_space<vmem>> -> memref<128xi32, #tpu.memory_space<vmem>>
      %dma_start3A_42 = arith.constant 0 : i32
      %dma_start3A_43 = arith.constant 0 : i32
      %dma_start3A_44 = tpu.memref_slice %arg2[%dma_start3A_42, %dma_start3A_43] : memref<500000x128xf32, #tpu.memory_space<hbm>> -> memref<500000x128xf32, #tpu.memory_space<hbm>>
      tpu.enqueue_indirect_dma source(%dma_start3A_44 : memref<500000x128xf32, #tpu.memory_space<hbm>>) target(%dma_start3A_39 : memref<128x128xf32, #tpu.memory_space<vmem>>) offsets(%dma_start3A_41 : memref<128xi32, #tpu.memory_space<vmem>>) semaphore(%arg12 : memref<!tpu.dma_semaphore, #tpu.memory_space<semaphore_mem>>)
      %dma_start3A_45 = arith.constant 256 : i32
      %dma_start3A_46 = arith.constant 0 : i32
      %dma_start3A_47 = tpu.memref_slice %arg11[%dma_start3A_45, %dma_start3A_46] : memref<640x128xf32, #tpu.memory_space<vmem>> -> memref<128x128xf32, #tpu.memory_space<vmem>>
      %dma_start3A_48 = arith.constant 256 : i32
      %dma_start3A_49 = tpu.memref_slice %arg10[%dma_start3A_48] : memref<640xi32, #tpu.memory_space<vmem>> -> memref<128xi32, #tpu.memory_space<vmem>>
      %dma_start3A_50 = arith.constant 0 : i32
      %dma_start3A_51 = arith.constant 0 : i32
      %dma_start3A_52 = tpu.memref_slice %arg2[%dma_start3A_50, %dma_start3A_51] : memref<500000x128xf32, #tpu.memory_space<hbm>> -> memref<500000x128xf32, #tpu.memory_space<hbm>>
      tpu.enqueue_indirect_dma source(%dma_start3A_52 : memref<500000x128xf32, #tpu.memory_space<hbm>>) target(%dma_start3A_47 : memref<128x128xf32, #tpu.memory_space<vmem>>) offsets(%dma_start3A_49 : memref<128xi32, #tpu.memory_space<vmem>>) semaphore(%arg12 : memref<!tpu.dma_semaphore, #tpu.memory_space<semaphore_mem>>)
      %dma_start3A_53 = arith.constant 384 : i32
      %dma_start3A_54 = arith.constant 0 : i32
      %dma_start3A_55 = tpu.memref_slice %arg11[%dma_start3A_53, %dma_start3A_54] : memref<640x128xf32, #tpu.memory_space<vmem>> -> memref<128x128xf32, #tpu.memory_space<vmem>>
      %dma_start3A_56 = arith.constant 384 : i32
      %dma_start3A_57 = tpu.memref_slice %arg10[%dma_start3A_56] : memref<640xi32, #tpu.memory_space<vmem>> -> memref<128xi32, #tpu.memory_space<vmem>>
      %dma_start3A_58 = arith.constant 0 : i32
      %dma_start3A_59 = arith.constant 0 : i32
      %dma_start3A_60 = tpu.memref_slice %arg2[%dma_start3A_58, %dma_start3A_59] : memref<500000x128xf32, #tpu.memory_space<hbm>> -> memref<500000x128xf32, #tpu.memory_space<hbm>>
      tpu.enqueue_indirect_dma source(%dma_start3A_60 : memref<500000x128xf32, #tpu.memory_space<hbm>>) target(%dma_start3A_55 : memref<128x128xf32, #tpu.memory_space<vmem>>) offsets(%dma_start3A_57 : memref<128xi32, #tpu.memory_space<vmem>>) semaphore(%arg12 : memref<!tpu.dma_semaphore, #tpu.memory_space<semaphore_mem>>)
      %dma_start3A_61 = arith.constant 512 : i32
      %dma_start3A_62 = arith.constant 0 : i32
      %dma_start3A_63 = tpu.memref_slice %arg11[%dma_start3A_61, %dma_start3A_62] : memref<640x128xf32, #tpu.memory_space<vmem>> -> memref<128x128xf32, #tpu.memory_space<vmem>>
      %dma_start3A_64 = arith.constant 512 : i32
      %dma_start3A_65 = tpu.memref_slice %arg10[%dma_start3A_64] : memref<640xi32, #tpu.memory_space<vmem>> -> memref<128xi32, #tpu.memory_space<vmem>>
      %dma_start3A_66 = arith.constant 0 : i32
      %dma_start3A_67 = arith.constant 0 : i32
      %dma_start3A_68 = tpu.memref_slice %arg2[%dma_start3A_66, %dma_start3A_67] : memref<500000x128xf32, #tpu.memory_space<hbm>> -> memref<500000x128xf32, #tpu.memory_space<hbm>>
      tpu.enqueue_indirect_dma source(%dma_start3A_68 : memref<500000x128xf32, #tpu.memory_space<hbm>>) target(%dma_start3A_63 : memref<128x128xf32, #tpu.memory_space<vmem>>) offsets(%dma_start3A_65 : memref<128xi32, #tpu.memory_space<vmem>>) semaphore(%arg12 : memref<!tpu.dma_semaphore, #tpu.memory_space<semaphore_mem>>)
      %dma_wait3A = arith.constant 0 : i32
      %dma_wait3A_69 = arith.constant 0 : i32
      %dma_wait3A_70 = tpu.memref_slice %arg11[%dma_wait3A, %dma_wait3A_69] : memref<640x128xf32, #tpu.memory_space<vmem>> -> memref<128x128xf32, #tpu.memory_space<vmem>>
      %dma_wait3A_71 = arith.constant 0 : i32
      %dma_wait3A_72 = tpu.memref_slice %arg10[%dma_wait3A_71] : memref<640xi32, #tpu.memory_space<vmem>> -> memref<128xi32, #tpu.memory_space<vmem>>
      %dma_wait3A_73 = arith.constant 0 : i32
      %dma_wait3A_74 = arith.constant 0 : i32
      %dma_wait3A_75 = tpu.memref_slice %arg2[%dma_wait3A_73, %dma_wait3A_74] : memref<500000x128xf32, #tpu.memory_space<hbm>> -> memref<500000x128xf32, #tpu.memory_space<hbm>>
      tpu.wait_indirect_dma semaphore(%arg12 : memref<!tpu.dma_semaphore, #tpu.memory_space<semaphore_mem>>) src(%dma_wait3A_75 : memref<500000x128xf32, #tpu.memory_space<hbm>>) dst(%dma_wait3A_70 : memref<128x128xf32, #tpu.memory_space<vmem>>)
      %dma_wait3A_76 = arith.constant 128 : i32
      %dma_wait3A_77 = arith.constant 0 : i32
      %dma_wait3A_78 = tpu.memref_slice %arg11[%dma_wait3A_76, %dma_wait3A_77] : memref<640x128xf32, #tpu.memory_space<vmem>> -> memref<128x128xf32, #tpu.memory_space<vmem>>
      %dma_wait3A_79 = arith.constant 128 : i32
      %dma_wait3A_80 = tpu.memref_slice %arg10[%dma_wait3A_79] : memref<640xi32, #tpu.memory_space<vmem>> -> memref<128xi32, #tpu.memory_space<vmem>>
      %dma_wait3A_81 = arith.constant 0 : i32
      %dma_wait3A_82 = arith.constant 0 : i32
      %dma_wait3A_83 = tpu.memref_slice %arg2[%dma_wait3A_81, %dma_wait3A_82] : memref<500000x128xf32, #tpu.memory_space<hbm>> -> memref<500000x128xf32, #tpu.memory_space<hbm>>
      tpu.wait_indirect_dma semaphore(%arg12 : memref<!tpu.dma_semaphore, #tpu.memory_space<semaphore_mem>>) src(%dma_wait3A_83 : memref<500000x128xf32, #tpu.memory_space<hbm>>) dst(%dma_wait3A_78 : memref<128x128xf32, #tpu.memory_space<vmem>>)
      %dma_wait3A_84 = arith.constant 256 : i32
      %dma_wait3A_85 = arith.constant 0 : i32
      %dma_wait3A_86 = tpu.memref_slice %arg11[%dma_wait3A_84, %dma_wait3A_85] : memref<640x128xf32, #tpu.memory_space<vmem>> -> memref<128x128xf32, #tpu.memory_space<vmem>>
      %dma_wait3A_87 = arith.constant 256 : i32
      %dma_wait3A_88 = tpu.memref_slice %arg10[%dma_wait3A_87] : memref<640xi32, #tpu.memory_space<vmem>> -> memref<128xi32, #tpu.memory_space<vmem>>
      %dma_wait3A_89 = arith.constant 0 : i32
      %dma_wait3A_90 = arith.constant 0 : i32
      %dma_wait3A_91 = tpu.memref_slice %arg2[%dma_wait3A_89, %dma_wait3A_90] : memref<500000x128xf32, #tpu.memory_space<hbm>> -> memref<500000x128xf32, #tpu.memory_space<hbm>>
      tpu.wait_indirect_dma semaphore(%arg12 : memref<!tpu.dma_semaphore, #tpu.memory_space<semaphore_mem>>) src(%dma_wait3A_91 : memref<500000x128xf32, #tpu.memory_space<hbm>>) dst(%dma_wait3A_86 : memref<128x128xf32, #tpu.memory_space<vmem>>)
      %dma_wait3A_92 = arith.constant 384 : i32
      %dma_wait3A_93 = arith.constant 0 : i32
      %dma_wait3A_94 = tpu.memref_slice %arg11[%dma_wait3A_92, %dma_wait3A_93] : memref<640x128xf32, #tpu.memory_space<vmem>> -> memref<128x128xf32, #tpu.memory_space<vmem>>
      %dma_wait3A_95 = arith.constant 384 : i32
      %dma_wait3A_96 = tpu.memref_slice %arg10[%dma_wait3A_95] : memref<640xi32, #tpu.memory_space<vmem>> -> memref<128xi32, #tpu.memory_space<vmem>>
      %dma_wait3A_97 = arith.constant 0 : i32
      %dma_wait3A_98 = arith.constant 0 : i32
      %dma_wait3A_99 = tpu.memref_slice %arg2[%dma_wait3A_97, %dma_wait3A_98] : memref<500000x128xf32, #tpu.memory_space<hbm>> -> memref<500000x128xf32, #tpu.memory_space<hbm>>
      tpu.wait_indirect_dma semaphore(%arg12 : memref<!tpu.dma_semaphore, #tpu.memory_space<semaphore_mem>>) src(%dma_wait3A_99 : memref<500000x128xf32, #tpu.memory_space<hbm>>) dst(%dma_wait3A_94 : memref<128x128xf32, #tpu.memory_space<vmem>>)
      %dma_wait3A_100 = arith.constant 512 : i32
      %dma_wait3A_101 = arith.constant 0 : i32
      %dma_wait3A_102 = tpu.memref_slice %arg11[%dma_wait3A_100, %dma_wait3A_101] : memref<640x128xf32, #tpu.memory_space<vmem>> -> memref<128x128xf32, #tpu.memory_space<vmem>>
      %dma_wait3A_103 = arith.constant 512 : i32
      %dma_wait3A_104 = tpu.memref_slice %arg10[%dma_wait3A_103] : memref<640xi32, #tpu.memory_space<vmem>> -> memref<128xi32, #tpu.memory_space<vmem>>
      %dma_wait3A_105 = arith.constant 0 : i32
      %dma_wait3A_106 = arith.constant 0 : i32
      %dma_wait3A_107 = tpu.memref_slice %arg2[%dma_wait3A_105, %dma_wait3A_106] : memref<500000x128xf32, #tpu.memory_space<hbm>> -> memref<500000x128xf32, #tpu.memory_space<hbm>>
      tpu.wait_indirect_dma semaphore(%arg12 : memref<!tpu.dma_semaphore, #tpu.memory_space<semaphore_mem>>) src(%dma_wait3A_107 : memref<500000x128xf32, #tpu.memory_space<hbm>>) dst(%dma_wait3A_102 : memref<128x128xf32, #tpu.memory_space<vmem>>)
      "tpu.region"() ({
        %run_scoped3A = tpu.sem_alloc : memref<!tpu.dma_semaphore, #tpu.memory_space<semaphore_mem>>
        %dma_start3A_109 = arith.constant 0 : i32
        %dma_start3A_110 = tpu.memref_slice %arg7[%mul3A_29, %dma_start3A_109] : memref<81920x128xf32, #tpu.memory_space<hbm>> -> memref<640x128xf32, #tpu.memory_space<hbm>>
        %dma_start3A_111 = arith.constant 0 : i32
        %dma_start3A_112 = tpu.memref_slice %arg7[%mul3A_29, %dma_start3A_111] : memref<81920x128xf32, #tpu.memory_space<hbm>> -> memref<640x128xf32, #tpu.memory_space<hbm>>
        tpu.enqueue_dma source(%arg11 : memref<640x128xf32, #tpu.memory_space<vmem>>) target(%dma_start3A_112 : memref<640x128xf32, #tpu.memory_space<hbm>>) target_semaphore(%run_scoped3A : memref<!tpu.dma_semaphore, #tpu.memory_space<semaphore_mem>>)
        %dma_wait3A_113 = arith.constant 0 : i32
        %dma_wait3A_114 = tpu.memref_slice %arg7[%mul3A_29, %dma_wait3A_113] : memref<81920x128xf32, #tpu.memory_space<hbm>> -> memref<640x128xf32, #tpu.memory_space<hbm>>
        %dma_wait3A_115 = arith.constant 0 : i32
        %dma_wait3A_116 = tpu.memref_slice %arg7[%mul3A_29, %dma_wait3A_115] : memref<81920x128xf32, #tpu.memory_space<hbm>> -> memref<640x128xf32, #tpu.memory_space<hbm>>
        tpu.wait_dma2 semaphore(%run_scoped3A : memref<!tpu.dma_semaphore, #tpu.memory_space<semaphore_mem>>) src(%arg11 : memref<640x128xf32, #tpu.memory_space<vmem>>) dst(%dma_wait3A_116 : memref<640x128xf32, #tpu.memory_space<hbm>>)
        tpu.yield
      }) : () -> ()
      %scan3A_108 = arith.constant 0 : i32
      scf.yield %scan3A_108 : i32
    }
    %scan3A_6 = arith.constant 4 : i32
    %scan3A_7 = arith.constant 0 : i32
    %scan3A_8 = arith.constant 0 : i32
    %scan3A_9 = arith.constant 4 : i32
    %scan3A_10 = arith.addi %scan3A_8, %scan3A_9 : i32
    %scan3A_11 = arith.constant 1 : i32
    %scan3A_12 = scf.for %scan3A_21 = %scan3A_8 to %scan3A_10 step %scan3A_11 iter_args(%scan3A_22 = %scan3A_7) -> (i32)  : i32 {
      %mul3A_23 = arith.constant 128 : i32
      %mul3A_24 = arith.muli %add3A, %mul3A_23 : i32
      %mul3A_25 = arith.constant 32 : i32
      %mul3A_26 = arith.muli %scan3A_21, %mul3A_25 : i32
      %add3A_27 = arith.addi %mul3A_24, %mul3A_26 : i32
      %mul3A_28 = arith.constant 20 : i32
      %mul3A_29 = arith.muli %add3A_27, %mul3A_28 : i32
      "tpu.region"() ({
        %run_scoped3A = tpu.sem_alloc : memref<!tpu.dma_semaphore, #tpu.memory_space<semaphore_mem>>
        %dma_start3A_109 = tpu.memref_slice %arg5[%mul3A_29] : memref<81920xi32, #tpu.memory_space<hbm>> -> memref<640xi32, #tpu.memory_space<hbm>>
        %dma_start3A_110 = tpu.memref_slice %arg5[%mul3A_29] : memref<81920xi32, #tpu.memory_space<hbm>> -> memref<640xi32, #tpu.memory_space<hbm>>
        tpu.enqueue_dma source(%dma_start3A_110 : memref<640xi32, #tpu.memory_space<hbm>>) target(%arg10 : memref<640xi32, #tpu.memory_space<vmem>>) target_semaphore(%run_scoped3A : memref<!tpu.dma_semaphore, #tpu.memory_space<semaphore_mem>>)
        %dma_wait3A_111 = tpu.memref_slice %arg5[%mul3A_29] : memref<81920xi32, #tpu.memory_space<hbm>> -> memref<640xi32, #tpu.memory_space<hbm>>
        %dma_wait3A_112 = tpu.memref_slice %arg5[%mul3A_29] : memref<81920xi32, #tpu.memory_space<hbm>> -> memref<640xi32, #tpu.memory_space<hbm>>
        tpu.wait_dma2 semaphore(%run_scoped3A : memref<!tpu.dma_semaphore, #tpu.memory_space<semaphore_mem>>) src(%dma_wait3A_112 : memref<640xi32, #tpu.memory_space<hbm>>) dst(%arg10 : memref<640xi32, #tpu.memory_space<vmem>>)
        tpu.yield
      }) : () -> ()
      %dma_start3A = arith.constant 0 : i32
      %dma_start3A_30 = arith.constant 0 : i32
      %dma_start3A_31 = tpu.memref_slice %arg11[%dma_start3A, %dma_start3A_30] : memref<640x128xf32, #tpu.memory_space<vmem>> -> memref<128x128xf32, #tpu.memory_space<vmem>>
      %dma_start3A_32 = arith.constant 0 : i32
      %dma_start3A_33 = tpu.memref_slice %arg10[%dma_start3A_32] : memref<640xi32, #tpu.memory_space<vmem>> -> memref<128xi32, #tpu.memory_space<vmem>>
      %dma_start3A_34 = arith.constant 0 : i32
      %dma_start3A_35 = arith.constant 0 : i32
      %dma_start3A_36 = tpu.memref_slice %arg3[%dma_start3A_34, %dma_start3A_35] : memref<500000x128xf32, #tpu.memory_space<hbm>> -> memref<500000x128xf32, #tpu.memory_space<hbm>>
      tpu.enqueue_indirect_dma source(%dma_start3A_36 : memref<500000x128xf32, #tpu.memory_space<hbm>>) target(%dma_start3A_31 : memref<128x128xf32, #tpu.memory_space<vmem>>) offsets(%dma_start3A_33 : memref<128xi32, #tpu.memory_space<vmem>>) semaphore(%arg12 : memref<!tpu.dma_semaphore, #tpu.memory_space<semaphore_mem>>)
      %dma_start3A_37 = arith.constant 128 : i32
      %dma_start3A_38 = arith.constant 0 : i32
      %dma_start3A_39 = tpu.memref_slice %arg11[%dma_start3A_37, %dma_start3A_38] : memref<640x128xf32, #tpu.memory_space<vmem>> -> memref<128x128xf32, #tpu.memory_space<vmem>>
      %dma_start3A_40 = arith.constant 128 : i32
      %dma_start3A_41 = tpu.memref_slice %arg10[%dma_start3A_40] : memref<640xi32, #tpu.memory_space<vmem>> -> memref<128xi32, #tpu.memory_space<vmem>>
      %dma_start3A_42 = arith.constant 0 : i32
      %dma_start3A_43 = arith.constant 0 : i32
      %dma_start3A_44 = tpu.memref_slice %arg3[%dma_start3A_42, %dma_start3A_43] : memref<500000x128xf32, #tpu.memory_space<hbm>> -> memref<500000x128xf32, #tpu.memory_space<hbm>>
      tpu.enqueue_indirect_dma source(%dma_start3A_44 : memref<500000x128xf32, #tpu.memory_space<hbm>>) target(%dma_start3A_39 : memref<128x128xf32, #tpu.memory_space<vmem>>) offsets(%dma_start3A_41 : memref<128xi32, #tpu.memory_space<vmem>>) semaphore(%arg12 : memref<!tpu.dma_semaphore, #tpu.memory_space<semaphore_mem>>)
      %dma_start3A_45 = arith.constant 256 : i32
      %dma_start3A_46 = arith.constant 0 : i32
      %dma_start3A_47 = tpu.memref_slice %arg11[%dma_start3A_45, %dma_start3A_46] : memref<640x128xf32, #tpu.memory_space<vmem>> -> memref<128x128xf32, #tpu.memory_space<vmem>>
      %dma_start3A_48 = arith.constant 256 : i32
      %dma_start3A_49 = tpu.memref_slice %arg10[%dma_start3A_48] : memref<640xi32, #tpu.memory_space<vmem>> -> memref<128xi32, #tpu.memory_space<vmem>>
      %dma_start3A_50 = arith.constant 0 : i32
      %dma_start3A_51 = arith.constant 0 : i32
      %dma_start3A_52 = tpu.memref_slice %arg3[%dma_start3A_50, %dma_start3A_51] : memref<500000x128xf32, #tpu.memory_space<hbm>> -> memref<500000x128xf32, #tpu.memory_space<hbm>>
      tpu.enqueue_indirect_dma source(%dma_start3A_52 : memref<500000x128xf32, #tpu.memory_space<hbm>>) target(%dma_start3A_47 : memref<128x128xf32, #tpu.memory_space<vmem>>) offsets(%dma_start3A_49 : memref<128xi32, #tpu.memory_space<vmem>>) semaphore(%arg12 : memref<!tpu.dma_semaphore, #tpu.memory_space<semaphore_mem>>)
      %dma_start3A_53 = arith.constant 384 : i32
      %dma_start3A_54 = arith.constant 0 : i32
      %dma_start3A_55 = tpu.memref_slice %arg11[%dma_start3A_53, %dma_start3A_54] : memref<640x128xf32, #tpu.memory_space<vmem>> -> memref<128x128xf32, #tpu.memory_space<vmem>>
      %dma_start3A_56 = arith.constant 384 : i32
      %dma_start3A_57 = tpu.memref_slice %arg10[%dma_start3A_56] : memref<640xi32, #tpu.memory_space<vmem>> -> memref<128xi32, #tpu.memory_space<vmem>>
      %dma_start3A_58 = arith.constant 0 : i32
      %dma_start3A_59 = arith.constant 0 : i32
      %dma_start3A_60 = tpu.memref_slice %arg3[%dma_start3A_58, %dma_start3A_59] : memref<500000x128xf32, #tpu.memory_space<hbm>> -> memref<500000x128xf32, #tpu.memory_space<hbm>>
      tpu.enqueue_indirect_dma source(%dma_start3A_60 : memref<500000x128xf32, #tpu.memory_space<hbm>>) target(%dma_start3A_55 : memref<128x128xf32, #tpu.memory_space<vmem>>) offsets(%dma_start3A_57 : memref<128xi32, #tpu.memory_space<vmem>>) semaphore(%arg12 : memref<!tpu.dma_semaphore, #tpu.memory_space<semaphore_mem>>)
      %dma_start3A_61 = arith.constant 512 : i32
      %dma_start3A_62 = arith.constant 0 : i32
      %dma_start3A_63 = tpu.memref_slice %arg11[%dma_start3A_61, %dma_start3A_62] : memref<640x128xf32, #tpu.memory_space<vmem>> -> memref<128x128xf32, #tpu.memory_space<vmem>>
      %dma_start3A_64 = arith.constant 512 : i32
      %dma_start3A_65 = tpu.memref_slice %arg10[%dma_start3A_64] : memref<640xi32, #tpu.memory_space<vmem>> -> memref<128xi32, #tpu.memory_space<vmem>>
      %dma_start3A_66 = arith.constant 0 : i32
      %dma_start3A_67 = arith.constant 0 : i32
      %dma_start3A_68 = tpu.memref_slice %arg3[%dma_start3A_66, %dma_start3A_67] : memref<500000x128xf32, #tpu.memory_space<hbm>> -> memref<500000x128xf32, #tpu.memory_space<hbm>>
      tpu.enqueue_indirect_dma source(%dma_start3A_68 : memref<500000x128xf32, #tpu.memory_space<hbm>>) target(%dma_start3A_63 : memref<128x128xf32, #tpu.memory_space<vmem>>) offsets(%dma_start3A_65 : memref<128xi32, #tpu.memory_space<vmem>>) semaphore(%arg12 : memref<!tpu.dma_semaphore, #tpu.memory_space<semaphore_mem>>)
      %dma_wait3A = arith.constant 0 : i32
      %dma_wait3A_69 = arith.constant 0 : i32
      %dma_wait3A_70 = tpu.memref_slice %arg11[%dma_wait3A, %dma_wait3A_69] : memref<640x128xf32, #tpu.memory_space<vmem>> -> memref<128x128xf32, #tpu.memory_space<vmem>>
      %dma_wait3A_71 = arith.constant 0 : i32
      %dma_wait3A_72 = tpu.memref_slice %arg10[%dma_wait3A_71] : memref<640xi32, #tpu.memory_space<vmem>> -> memref<128xi32, #tpu.memory_space<vmem>>
      %dma_wait3A_73 = arith.constant 0 : i32
      %dma_wait3A_74 = arith.constant 0 : i32
      %dma_wait3A_75 = tpu.memref_slice %arg3[%dma_wait3A_73, %dma_wait3A_74] : memref<500000x128xf32, #tpu.memory_space<hbm>> -> memref<500000x128xf32, #tpu.memory_space<hbm>>
      tpu.wait_indirect_dma semaphore(%arg12 : memref<!tpu.dma_semaphore, #tpu.memory_space<semaphore_mem>>) src(%dma_wait3A_75 : memref<500000x128xf32, #tpu.memory_space<hbm>>) dst(%dma_wait3A_70 : memref<128x128xf32, #tpu.memory_space<vmem>>)
      %dma_wait3A_76 = arith.constant 128 : i32
      %dma_wait3A_77 = arith.constant 0 : i32
      %dma_wait3A_78 = tpu.memref_slice %arg11[%dma_wait3A_76, %dma_wait3A_77] : memref<640x128xf32, #tpu.memory_space<vmem>> -> memref<128x128xf32, #tpu.memory_space<vmem>>
      %dma_wait3A_79 = arith.constant 128 : i32
      %dma_wait3A_80 = tpu.memref_slice %arg10[%dma_wait3A_79] : memref<640xi32, #tpu.memory_space<vmem>> -> memref<128xi32, #tpu.memory_space<vmem>>
      %dma_wait3A_81 = arith.constant 0 : i32
      %dma_wait3A_82 = arith.constant 0 : i32
      %dma_wait3A_83 = tpu.memref_slice %arg3[%dma_wait3A_81, %dma_wait3A_82] : memref<500000x128xf32, #tpu.memory_space<hbm>> -> memref<500000x128xf32, #tpu.memory_space<hbm>>
      tpu.wait_indirect_dma semaphore(%arg12 : memref<!tpu.dma_semaphore, #tpu.memory_space<semaphore_mem>>) src(%dma_wait3A_83 : memref<500000x128xf32, #tpu.memory_space<hbm>>) dst(%dma_wait3A_78 : memref<128x128xf32, #tpu.memory_space<vmem>>)
      %dma_wait3A_84 = arith.constant 256 : i32
      %dma_wait3A_85 = arith.constant 0 : i32
      %dma_wait3A_86 = tpu.memref_slice %arg11[%dma_wait3A_84, %dma_wait3A_85] : memref<640x128xf32, #tpu.memory_space<vmem>> -> memref<128x128xf32, #tpu.memory_space<vmem>>
      %dma_wait3A_87 = arith.constant 256 : i32
      %dma_wait3A_88 = tpu.memref_slice %arg10[%dma_wait3A_87] : memref<640xi32, #tpu.memory_space<vmem>> -> memref<128xi32, #tpu.memory_space<vmem>>
      %dma_wait3A_89 = arith.constant 0 : i32
      %dma_wait3A_90 = arith.constant 0 : i32
      %dma_wait3A_91 = tpu.memref_slice %arg3[%dma_wait3A_89, %dma_wait3A_90] : memref<500000x128xf32, #tpu.memory_space<hbm>> -> memref<500000x128xf32, #tpu.memory_space<hbm>>
      tpu.wait_indirect_dma semaphore(%arg12 : memref<!tpu.dma_semaphore, #tpu.memory_space<semaphore_mem>>) src(%dma_wait3A_91 : memref<500000x128xf32, #tpu.memory_space<hbm>>) dst(%dma_wait3A_86 : memref<128x128xf32, #tpu.memory_space<vmem>>)
      %dma_wait3A_92 = arith.constant 384 : i32
      %dma_wait3A_93 = arith.constant 0 : i32
      %dma_wait3A_94 = tpu.memref_slice %arg11[%dma_wait3A_92, %dma_wait3A_93] : memref<640x128xf32, #tpu.memory_space<vmem>> -> memref<128x128xf32, #tpu.memory_space<vmem>>
      %dma_wait3A_95 = arith.constant 384 : i32
      %dma_wait3A_96 = tpu.memref_slice %arg10[%dma_wait3A_95] : memref<640xi32, #tpu.memory_space<vmem>> -> memref<128xi32, #tpu.memory_space<vmem>>
      %dma_wait3A_97 = arith.constant 0 : i32
      %dma_wait3A_98 = arith.constant 0 : i32
      %dma_wait3A_99 = tpu.memref_slice %arg3[%dma_wait3A_97, %dma_wait3A_98] : memref<500000x128xf32, #tpu.memory_space<hbm>> -> memref<500000x128xf32, #tpu.memory_space<hbm>>
      tpu.wait_indirect_dma semaphore(%arg12 : memref<!tpu.dma_semaphore, #tpu.memory_space<semaphore_mem>>) src(%dma_wait3A_99 : memref<500000x128xf32, #tpu.memory_space<hbm>>) dst(%dma_wait3A_94 : memref<128x128xf32, #tpu.memory_space<vmem>>)
      %dma_wait3A_100 = arith.constant 512 : i32
      %dma_wait3A_101 = arith.constant 0 : i32
      %dma_wait3A_102 = tpu.memref_slice %arg11[%dma_wait3A_100, %dma_wait3A_101] : memref<640x128xf32, #tpu.memory_space<vmem>> -> memref<128x128xf32, #tpu.memory_space<vmem>>
      %dma_wait3A_103 = arith.constant 512 : i32
      %dma_wait3A_104 = tpu.memref_slice %arg10[%dma_wait3A_103] : memref<640xi32, #tpu.memory_space<vmem>> -> memref<128xi32, #tpu.memory_space<vmem>>
      %dma_wait3A_105 = arith.constant 0 : i32
      %dma_wait3A_106 = arith.constant 0 : i32
      %dma_wait3A_107 = tpu.memref_slice %arg3[%dma_wait3A_105, %dma_wait3A_106] : memref<500000x128xf32, #tpu.memory_space<hbm>> -> memref<500000x128xf32, #tpu.memory_space<hbm>>
      tpu.wait_indirect_dma semaphore(%arg12 : memref<!tpu.dma_semaphore, #tpu.memory_space<semaphore_mem>>) src(%dma_wait3A_107 : memref<500000x128xf32, #tpu.memory_space<hbm>>) dst(%dma_wait3A_102 : memref<128x128xf32, #tpu.memory_space<vmem>>)
      "tpu.region"() ({
        %run_scoped3A = tpu.sem_alloc : memref<!tpu.dma_semaphore, #tpu.memory_space<semaphore_mem>>
        %dma_start3A_109 = arith.constant 0 : i32
        %dma_start3A_110 = tpu.memref_slice %arg8[%mul3A_29, %dma_start3A_109] : memref<81920x128xf32, #tpu.memory_space<hbm>> -> memref<640x128xf32, #tpu.memory_space<hbm>>
        %dma_start3A_111 = arith.constant 0 : i32
        %dma_start3A_112 = tpu.memref_slice %arg8[%mul3A_29, %dma_start3A_111] : memref<81920x128xf32, #tpu.memory_space<hbm>> -> memref<640x128xf32, #tpu.memory_space<hbm>>
        tpu.enqueue_dma source(%arg11 : memref<640x128xf32, #tpu.memory_space<vmem>>) target(%dma_start3A_112 : memref<640x128xf32, #tpu.memory_space<hbm>>) target_semaphore(%run_scoped3A : memref<!tpu.dma_semaphore, #tpu.memory_space<semaphore_mem>>)
        %dma_wait3A_113 = arith.constant 0 : i32
        %dma_wait3A_114 = tpu.memref_slice %arg8[%mul3A_29, %dma_wait3A_113] : memref<81920x128xf32, #tpu.memory_space<hbm>> -> memref<640x128xf32, #tpu.memory_space<hbm>>
        %dma_wait3A_115 = arith.constant 0 : i32
        %dma_wait3A_116 = tpu.memref_slice %arg8[%mul3A_29, %dma_wait3A_115] : memref<81920x128xf32, #tpu.memory_space<hbm>> -> memref<640x128xf32, #tpu.memory_space<hbm>>
        tpu.wait_dma2 semaphore(%run_scoped3A : memref<!tpu.dma_semaphore, #tpu.memory_space<semaphore_mem>>) src(%arg11 : memref<640x128xf32, #tpu.memory_space<vmem>>) dst(%dma_wait3A_116 : memref<640x128xf32, #tpu.memory_space<hbm>>)
        tpu.yield
      }) : () -> ()
      %scan3A_108 = arith.constant 0 : i32
      scf.yield %scan3A_108 : i32
    }
    %scan3A_13 = arith.constant 4 : i32
    %scan3A_14 = arith.constant 0 : i32
    %scan3A_15 = arith.constant 0 : i32
    %scan3A_16 = arith.constant 4 : i32
    %scan3A_17 = arith.addi %scan3A_15, %scan3A_16 : i32
    %scan3A_18 = arith.constant 1 : i32
    %scan3A_19 = scf.for %scan3A_21 = %scan3A_15 to %scan3A_17 step %scan3A_18 iter_args(%scan3A_22 = %scan3A_14) -> (i32)  : i32 {
      %mul3A_23 = arith.constant 128 : i32
      %mul3A_24 = arith.muli %add3A, %mul3A_23 : i32
      %mul3A_25 = arith.constant 32 : i32
      %mul3A_26 = arith.muli %scan3A_21, %mul3A_25 : i32
      %add3A_27 = arith.addi %mul3A_24, %mul3A_26 : i32
      %mul3A_28 = arith.constant 20 : i32
      %mul3A_29 = arith.muli %add3A_27, %mul3A_28 : i32
      "tpu.region"() ({
        %run_scoped3A = tpu.sem_alloc : memref<!tpu.dma_semaphore, #tpu.memory_space<semaphore_mem>>
        %dma_start3A_109 = tpu.memref_slice %arg6[%mul3A_29] : memref<81920xi32, #tpu.memory_space<hbm>> -> memref<640xi32, #tpu.memory_space<hbm>>
        %dma_start3A_110 = tpu.memref_slice %arg6[%mul3A_29] : memref<81920xi32, #tpu.memory_space<hbm>> -> memref<640xi32, #tpu.memory_space<hbm>>
        tpu.enqueue_dma source(%dma_start3A_110 : memref<640xi32, #tpu.memory_space<hbm>>) target(%arg10 : memref<640xi32, #tpu.memory_space<vmem>>) target_semaphore(%run_scoped3A : memref<!tpu.dma_semaphore, #tpu.memory_space<semaphore_mem>>)
        %dma_wait3A_111 = tpu.memref_slice %arg6[%mul3A_29] : memref<81920xi32, #tpu.memory_space<hbm>> -> memref<640xi32, #tpu.memory_space<hbm>>
        %dma_wait3A_112 = tpu.memref_slice %arg6[%mul3A_29] : memref<81920xi32, #tpu.memory_space<hbm>> -> memref<640xi32, #tpu.memory_space<hbm>>
        tpu.wait_dma2 semaphore(%run_scoped3A : memref<!tpu.dma_semaphore, #tpu.memory_space<semaphore_mem>>) src(%dma_wait3A_112 : memref<640xi32, #tpu.memory_space<hbm>>) dst(%arg10 : memref<640xi32, #tpu.memory_space<vmem>>)
        tpu.yield
      }) : () -> ()
      %dma_start3A = arith.constant 0 : i32
      %dma_start3A_30 = arith.constant 0 : i32
      %dma_start3A_31 = tpu.memref_slice %arg11[%dma_start3A, %dma_start3A_30] : memref<640x128xf32, #tpu.memory_space<vmem>> -> memref<128x128xf32, #tpu.memory_space<vmem>>
      %dma_start3A_32 = arith.constant 0 : i32
      %dma_start3A_33 = tpu.memref_slice %arg10[%dma_start3A_32] : memref<640xi32, #tpu.memory_space<vmem>> -> memref<128xi32, #tpu.memory_space<vmem>>
      %dma_start3A_34 = arith.constant 0 : i32
      %dma_start3A_35 = arith.constant 0 : i32
      %dma_start3A_36 = tpu.memref_slice %arg3[%dma_start3A_34, %dma_start3A_35] : memref<500000x128xf32, #tpu.memory_space<hbm>> -> memref<500000x128xf32, #tpu.memory_space<hbm>>
      tpu.enqueue_indirect_dma source(%dma_start3A_36 : memref<500000x128xf32, #tpu.memory_space<hbm>>) target(%dma_start3A_31 : memref<128x128xf32, #tpu.memory_space<vmem>>) offsets(%dma_start3A_33 : memref<128xi32, #tpu.memory_space<vmem>>) semaphore(%arg12 : memref<!tpu.dma_semaphore, #tpu.memory_space<semaphore_mem>>)
      %dma_start3A_37 = arith.constant 128 : i32
      %dma_start3A_38 = arith.constant 0 : i32
      %dma_start3A_39 = tpu.memref_slice %arg11[%dma_start3A_37, %dma_start3A_38] : memref<640x128xf32, #tpu.memory_space<vmem>> -> memref<128x128xf32, #tpu.memory_space<vmem>>
      %dma_start3A_40 = arith.constant 128 : i32
      %dma_start3A_41 = tpu.memref_slice %arg10[%dma_start3A_40] : memref<640xi32, #tpu.memory_space<vmem>> -> memref<128xi32, #tpu.memory_space<vmem>>
      %dma_start3A_42 = arith.constant 0 : i32
      %dma_start3A_43 = arith.constant 0 : i32
      %dma_start3A_44 = tpu.memref_slice %arg3[%dma_start3A_42, %dma_start3A_43] : memref<500000x128xf32, #tpu.memory_space<hbm>> -> memref<500000x128xf32, #tpu.memory_space<hbm>>
      tpu.enqueue_indirect_dma source(%dma_start3A_44 : memref<500000x128xf32, #tpu.memory_space<hbm>>) target(%dma_start3A_39 : memref<128x128xf32, #tpu.memory_space<vmem>>) offsets(%dma_start3A_41 : memref<128xi32, #tpu.memory_space<vmem>>) semaphore(%arg12 : memref<!tpu.dma_semaphore, #tpu.memory_space<semaphore_mem>>)
      %dma_start3A_45 = arith.constant 256 : i32
      %dma_start3A_46 = arith.constant 0 : i32
      %dma_start3A_47 = tpu.memref_slice %arg11[%dma_start3A_45, %dma_start3A_46] : memref<640x128xf32, #tpu.memory_space<vmem>> -> memref<128x128xf32, #tpu.memory_space<vmem>>
      %dma_start3A_48 = arith.constant 256 : i32
      %dma_start3A_49 = tpu.memref_slice %arg10[%dma_start3A_48] : memref<640xi32, #tpu.memory_space<vmem>> -> memref<128xi32, #tpu.memory_space<vmem>>
      %dma_start3A_50 = arith.constant 0 : i32
      %dma_start3A_51 = arith.constant 0 : i32
      %dma_start3A_52 = tpu.memref_slice %arg3[%dma_start3A_50, %dma_start3A_51] : memref<500000x128xf32, #tpu.memory_space<hbm>> -> memref<500000x128xf32, #tpu.memory_space<hbm>>
      tpu.enqueue_indirect_dma source(%dma_start3A_52 : memref<500000x128xf32, #tpu.memory_space<hbm>>) target(%dma_start3A_47 : memref<128x128xf32, #tpu.memory_space<vmem>>) offsets(%dma_start3A_49 : memref<128xi32, #tpu.memory_space<vmem>>) semaphore(%arg12 : memref<!tpu.dma_semaphore, #tpu.memory_space<semaphore_mem>>)
      %dma_start3A_53 = arith.constant 384 : i32
      %dma_start3A_54 = arith.constant 0 : i32
      %dma_start3A_55 = tpu.memref_slice %arg11[%dma_start3A_53, %dma_start3A_54] : memref<640x128xf32, #tpu.memory_space<vmem>> -> memref<128x128xf32, #tpu.memory_space<vmem>>
      %dma_start3A_56 = arith.constant 384 : i32
      %dma_start3A_57 = tpu.memref_slice %arg10[%dma_start3A_56] : memref<640xi32, #tpu.memory_space<vmem>> -> memref<128xi32, #tpu.memory_space<vmem>>
      %dma_start3A_58 = arith.constant 0 : i32
      %dma_start3A_59 = arith.constant 0 : i32
      %dma_start3A_60 = tpu.memref_slice %arg3[%dma_start3A_58, %dma_start3A_59] : memref<500000x128xf32, #tpu.memory_space<hbm>> -> memref<500000x128xf32, #tpu.memory_space<hbm>>
      tpu.enqueue_indirect_dma source(%dma_start3A_60 : memref<500000x128xf32, #tpu.memory_space<hbm>>) target(%dma_start3A_55 : memref<128x128xf32, #tpu.memory_space<vmem>>) offsets(%dma_start3A_57 : memref<128xi32, #tpu.memory_space<vmem>>) semaphore(%arg12 : memref<!tpu.dma_semaphore, #tpu.memory_space<semaphore_mem>>)
      %dma_start3A_61 = arith.constant 512 : i32
      %dma_start3A_62 = arith.constant 0 : i32
      %dma_start3A_63 = tpu.memref_slice %arg11[%dma_start3A_61, %dma_start3A_62] : memref<640x128xf32, #tpu.memory_space<vmem>> -> memref<128x128xf32, #tpu.memory_space<vmem>>
      %dma_start3A_64 = arith.constant 512 : i32
      %dma_start3A_65 = tpu.memref_slice %arg10[%dma_start3A_64] : memref<640xi32, #tpu.memory_space<vmem>> -> memref<128xi32, #tpu.memory_space<vmem>>
      %dma_start3A_66 = arith.constant 0 : i32
      %dma_start3A_67 = arith.constant 0 : i32
      %dma_start3A_68 = tpu.memref_slice %arg3[%dma_start3A_66, %dma_start3A_67] : memref<500000x128xf32, #tpu.memory_space<hbm>> -> memref<500000x128xf32, #tpu.memory_space<hbm>>
      tpu.enqueue_indirect_dma source(%dma_start3A_68 : memref<500000x128xf32, #tpu.memory_space<hbm>>) target(%dma_start3A_63 : memref<128x128xf32, #tpu.memory_space<vmem>>) offsets(%dma_start3A_65 : memref<128xi32, #tpu.memory_space<vmem>>) semaphore(%arg12 : memref<!tpu.dma_semaphore, #tpu.memory_space<semaphore_mem>>)
      %dma_wait3A = arith.constant 0 : i32
      %dma_wait3A_69 = arith.constant 0 : i32
      %dma_wait3A_70 = tpu.memref_slice %arg11[%dma_wait3A, %dma_wait3A_69] : memref<640x128xf32, #tpu.memory_space<vmem>> -> memref<128x128xf32, #tpu.memory_space<vmem>>
      %dma_wait3A_71 = arith.constant 0 : i32
      %dma_wait3A_72 = tpu.memref_slice %arg10[%dma_wait3A_71] : memref<640xi32, #tpu.memory_space<vmem>> -> memref<128xi32, #tpu.memory_space<vmem>>
      %dma_wait3A_73 = arith.constant 0 : i32
      %dma_wait3A_74 = arith.constant 0 : i32
      %dma_wait3A_75 = tpu.memref_slice %arg3[%dma_wait3A_73, %dma_wait3A_74] : memref<500000x128xf32, #tpu.memory_space<hbm>> -> memref<500000x128xf32, #tpu.memory_space<hbm>>
      tpu.wait_indirect_dma semaphore(%arg12 : memref<!tpu.dma_semaphore, #tpu.memory_space<semaphore_mem>>) src(%dma_wait3A_75 : memref<500000x128xf32, #tpu.memory_space<hbm>>) dst(%dma_wait3A_70 : memref<128x128xf32, #tpu.memory_space<vmem>>)
      %dma_wait3A_76 = arith.constant 128 : i32
      %dma_wait3A_77 = arith.constant 0 : i32
      %dma_wait3A_78 = tpu.memref_slice %arg11[%dma_wait3A_76, %dma_wait3A_77] : memref<640x128xf32, #tpu.memory_space<vmem>> -> memref<128x128xf32, #tpu.memory_space<vmem>>
      %dma_wait3A_79 = arith.constant 128 : i32
      %dma_wait3A_80 = tpu.memref_slice %arg10[%dma_wait3A_79] : memref<640xi32, #tpu.memory_space<vmem>> -> memref<128xi32, #tpu.memory_space<vmem>>
      %dma_wait3A_81 = arith.constant 0 : i32
      %dma_wait3A_82 = arith.constant 0 : i32
      %dma_wait3A_83 = tpu.memref_slice %arg3[%dma_wait3A_81, %dma_wait3A_82] : memref<500000x128xf32, #tpu.memory_space<hbm>> -> memref<500000x128xf32, #tpu.memory_space<hbm>>
      tpu.wait_indirect_dma semaphore(%arg12 : memref<!tpu.dma_semaphore, #tpu.memory_space<semaphore_mem>>) src(%dma_wait3A_83 : memref<500000x128xf32, #tpu.memory_space<hbm>>) dst(%dma_wait3A_78 : memref<128x128xf32, #tpu.memory_space<vmem>>)
      %dma_wait3A_84 = arith.constant 256 : i32
      %dma_wait3A_85 = arith.constant 0 : i32
      %dma_wait3A_86 = tpu.memref_slice %arg11[%dma_wait3A_84, %dma_wait3A_85] : memref<640x128xf32, #tpu.memory_space<vmem>> -> memref<128x128xf32, #tpu.memory_space<vmem>>
      %dma_wait3A_87 = arith.constant 256 : i32
      %dma_wait3A_88 = tpu.memref_slice %arg10[%dma_wait3A_87] : memref<640xi32, #tpu.memory_space<vmem>> -> memref<128xi32, #tpu.memory_space<vmem>>
      %dma_wait3A_89 = arith.constant 0 : i32
      %dma_wait3A_90 = arith.constant 0 : i32
      %dma_wait3A_91 = tpu.memref_slice %arg3[%dma_wait3A_89, %dma_wait3A_90] : memref<500000x128xf32, #tpu.memory_space<hbm>> -> memref<500000x128xf32, #tpu.memory_space<hbm>>
      tpu.wait_indirect_dma semaphore(%arg12 : memref<!tpu.dma_semaphore, #tpu.memory_space<semaphore_mem>>) src(%dma_wait3A_91 : memref<500000x128xf32, #tpu.memory_space<hbm>>) dst(%dma_wait3A_86 : memref<128x128xf32, #tpu.memory_space<vmem>>)
      %dma_wait3A_92 = arith.constant 384 : i32
      %dma_wait3A_93 = arith.constant 0 : i32
      %dma_wait3A_94 = tpu.memref_slice %arg11[%dma_wait3A_92, %dma_wait3A_93] : memref<640x128xf32, #tpu.memory_space<vmem>> -> memref<128x128xf32, #tpu.memory_space<vmem>>
      %dma_wait3A_95 = arith.constant 384 : i32
      %dma_wait3A_96 = tpu.memref_slice %arg10[%dma_wait3A_95] : memref<640xi32, #tpu.memory_space<vmem>> -> memref<128xi32, #tpu.memory_space<vmem>>
      %dma_wait3A_97 = arith.constant 0 : i32
      %dma_wait3A_98 = arith.constant 0 : i32
      %dma_wait3A_99 = tpu.memref_slice %arg3[%dma_wait3A_97, %dma_wait3A_98] : memref<500000x128xf32, #tpu.memory_space<hbm>> -> memref<500000x128xf32, #tpu.memory_space<hbm>>
      tpu.wait_indirect_dma semaphore(%arg12 : memref<!tpu.dma_semaphore, #tpu.memory_space<semaphore_mem>>) src(%dma_wait3A_99 : memref<500000x128xf32, #tpu.memory_space<hbm>>) dst(%dma_wait3A_94 : memref<128x128xf32, #tpu.memory_space<vmem>>)
      %dma_wait3A_100 = arith.constant 512 : i32
      %dma_wait3A_101 = arith.constant 0 : i32
      %dma_wait3A_102 = tpu.memref_slice %arg11[%dma_wait3A_100, %dma_wait3A_101] : memref<640x128xf32, #tpu.memory_space<vmem>> -> memref<128x128xf32, #tpu.memory_space<vmem>>
      %dma_wait3A_103 = arith.constant 512 : i32
      %dma_wait3A_104 = tpu.memref_slice %arg10[%dma_wait3A_103] : memref<640xi32, #tpu.memory_space<vmem>> -> memref<128xi32, #tpu.memory_space<vmem>>
      %dma_wait3A_105 = arith.constant 0 : i32
      %dma_wait3A_106 = arith.constant 0 : i32
      %dma_wait3A_107 = tpu.memref_slice %arg3[%dma_wait3A_105, %dma_wait3A_106] : memref<500000x128xf32, #tpu.memory_space<hbm>> -> memref<500000x128xf32, #tpu.memory_space<hbm>>
      tpu.wait_indirect_dma semaphore(%arg12 : memref<!tpu.dma_semaphore, #tpu.memory_space<semaphore_mem>>) src(%dma_wait3A_107 : memref<500000x128xf32, #tpu.memory_space<hbm>>) dst(%dma_wait3A_102 : memref<128x128xf32, #tpu.memory_space<vmem>>)
      "tpu.region"() ({
        %run_scoped3A = tpu.sem_alloc : memref<!tpu.dma_semaphore, #tpu.memory_space<semaphore_mem>>
        %dma_start3A_109 = arith.constant 0 : i32
        %dma_start3A_110 = tpu.memref_slice %arg9[%mul3A_29, %dma_start3A_109] : memref<81920x128xf32, #tpu.memory_space<hbm>> -> memref<640x128xf32, #tpu.memory_space<hbm>>
        %dma_start3A_111 = arith.constant 0 : i32
        %dma_start3A_112 = tpu.memref_slice %arg9[%mul3A_29, %dma_start3A_111] : memref<81920x128xf32, #tpu.memory_space<hbm>> -> memref<640x128xf32, #tpu.memory_space<hbm>>
        tpu.enqueue_dma source(%arg11 : memref<640x128xf32, #tpu.memory_space<vmem>>) target(%dma_start3A_112 : memref<640x128xf32, #tpu.memory_space<hbm>>) target_semaphore(%run_scoped3A : memref<!tpu.dma_semaphore, #tpu.memory_space<semaphore_mem>>)
        %dma_wait3A_113 = arith.constant 0 : i32
        %dma_wait3A_114 = tpu.memref_slice %arg9[%mul3A_29, %dma_wait3A_113] : memref<81920x128xf32, #tpu.memory_space<hbm>> -> memref<640x128xf32, #tpu.memory_space<hbm>>
        %dma_wait3A_115 = arith.constant 0 : i32
        %dma_wait3A_116 = tpu.memref_slice %arg9[%mul3A_29, %dma_wait3A_115] : memref<81920x128xf32, #tpu.memory_space<hbm>> -> memref<640x128xf32, #tpu.memory_space<hbm>>
        tpu.wait_dma2 semaphore(%run_scoped3A : memref<!tpu.dma_semaphore, #tpu.memory_space<semaphore_mem>>) src(%arg11 : memref<640x128xf32, #tpu.memory_space<vmem>>) dst(%dma_wait3A_116 : memref<640x128xf32, #tpu.memory_space<hbm>>)
        tpu.yield
      }) : () -> ()
      %scan3A_108 = arith.constant 0 : i32
      scf.yield %scan3A_108 : i32
    }
    %scan3A_20 = arith.constant 4 : i32
    return
  }
}

module attributes {stable_mosaic.version = 14 : i64} {
  func.func @_tc_finish_body(%arg0: i32, %arg1: memref<256x20x128xf32, #tpu.memory_space<vmem>>, %arg2: memref<256x20x128xf32, #tpu.memory_space<vmem>>, %arg3: memref<256x20x128xf32, #tpu.memory_space<vmem>>, %arg4: memref<256x20xi32, #tpu.memory_space<vmem>>, %arg5: memref<256x20xi32, #tpu.memory_space<vmem>>, %arg6: memref<256x20xi32, #tpu.memory_space<vmem>>, %arg7: memref<1x64xf32, #tpu.memory_space<vmem>>, %arg8: memref<1x64xf32, #tpu.memory_space<vmem>>, %arg9: memref<256xf32, #tpu.memory_space<vmem>>, %arg10: memref<256xf32, #tpu.memory_space<vmem>>) attributes {dimension_semantics = [#tpu.dimension_semantics<arbitrary>], iteration_bounds = array<i64: 16>, scalar_prefetch = 0 : i64, scratch_operands = 0 : i64, tpu.core_type = #tpu.core_type<tc>, window_params = [{transform_indices = @transform_0, window_bounds = array<i64: 256, 20, 128>}, {transform_indices = @transform_1, window_bounds = array<i64: 256, 20, 128>}, {transform_indices = @transform_2, window_bounds = array<i64: 256, 20, 128>}, {transform_indices = @transform_3, window_bounds = array<i64: 256, 20>}, {transform_indices = @transform_4, window_bounds = array<i64: 256, 20>}, {transform_indices = @transform_5, window_bounds = array<i64: 256, 20>}, {pipeline_mode = #tpu.pipeline_mode<synchronous>, transform_indices = @transform_6, window_bounds = array<i64: 1, 64>}, {pipeline_mode = #tpu.pipeline_mode<synchronous>, transform_indices = @transform_7, window_bounds = array<i64: 1, 64>}, {transform_indices = @transform_8, window_bounds = array<i64: 256>}, {transform_indices = @transform_9, window_bounds = array<i64: 256>}]} {
    %get3A = arith.constant 0 : index
    %get3A_0 = arith.constant 0 : index
    %get3A_1 = arith.constant 0 : index
    %get3A_2 = vector.load %arg1[%get3A, %get3A_0, %get3A_1] : memref<256x20x128xf32, #tpu.memory_space<vmem>>, vector<256x20x128xf32>
    %get3A_3 = arith.constant 0 : index
    %get3A_4 = arith.constant 0 : index
    %get3A_5 = vector.load %arg4[%get3A_3, %get3A_4] : memref<256x20xi32, #tpu.memory_space<vmem>>, vector<256x20xi32>
    %broadcast_in_dim3A = vector.shape_cast %get3A_5 : vector<256x20xi32> to vector<256x20x1xi32>
    %eq3A = arith.constant 1 : i32
    %eq3A_6 = vector.broadcast %eq3A : i32 to vector<256x20x1xi32>
    %eq3A_7 = arith.cmpi eq, %broadcast_in_dim3A, %eq3A_6 : vector<256x20x1xi32>
    %slice3A = vector.extract_strided_slice %get3A_2 {offsets = [0, 0, 64], sizes = [256, 20, 64], strides = [1, 1, 1]} : vector<256x20x128xf32> to vector<256x20x64xf32>
    %slice3A_8 = vector.extract_strided_slice %get3A_2 {offsets = [0, 0, 0], sizes = [256, 20, 64], strides = [1, 1, 1]} : vector<256x20x128xf32> to vector<256x20x64xf32>
    %broadcast_in_dim3A_9 = vector.shape_cast %eq3A_7 : vector<256x20x1xi1> to vector<256x20x1xi1>
    %broadcast_in_dim3A_10 = vector.broadcast %broadcast_in_dim3A_9 : vector<256x20x1xi1> to vector<256x20x64xi1>
    %select_n3A = arith.select %broadcast_in_dim3A_10, %slice3A, %slice3A_8 : vector<256x20x64xi1>, vector<256x20x64xf32>
    %reduce_sum3A = arith.constant dense<0.000000e+00> : vector<256x64xf32>
    %reduce_sum3A_11 = vector.multi_reduction <add>, %select_n3A, %reduce_sum3A [1] : vector<256x20x64xf32> to vector<256x64xf32>
    %get3A_12 = arith.constant 0 : index
    %get3A_13 = arith.constant 0 : index
    %get3A_14 = vector.load %arg7[%get3A_12, %get3A_13] : memref<1x64xf32, #tpu.memory_space<vmem>>, vector<1x64xf32>
    %add3A = vector.broadcast %get3A_14 : vector<1x64xf32> to vector<256x64xf32>
    %add3A_15 = arith.addf %reduce_sum3A_11, %add3A : vector<256x64xf32>
    %tanh3A = math.tanh %add3A_15 : vector<256x64xf32>
    %get3A_16 = arith.constant 0 : index
    %get3A_17 = arith.constant 0 : index
    %get3A_18 = arith.constant 0 : index
    %get3A_19 = vector.load %arg2[%get3A_16, %get3A_17, %get3A_18] : memref<256x20x128xf32, #tpu.memory_space<vmem>>, vector<256x20x128xf32>
    %get3A_20 = arith.constant 0 : index
    %get3A_21 = arith.constant 0 : index
    %get3A_22 = vector.load %arg5[%get3A_20, %get3A_21] : memref<256x20xi32, #tpu.memory_space<vmem>>, vector<256x20xi32>
    %broadcast_in_dim3A_23 = vector.shape_cast %get3A_22 : vector<256x20xi32> to vector<256x20x1xi32>
    %eq3A_24 = arith.constant 1 : i32
    %eq3A_25 = vector.broadcast %eq3A_24 : i32 to vector<256x20x1xi32>
    %eq3A_26 = arith.cmpi eq, %broadcast_in_dim3A_23, %eq3A_25 : vector<256x20x1xi32>
    %slice3A_27 = vector.extract_strided_slice %get3A_19 {offsets = [0, 0, 64], sizes = [256, 20, 64], strides = [1, 1, 1]} : vector<256x20x128xf32> to vector<256x20x64xf32>
    %slice3A_28 = vector.extract_strided_slice %get3A_19 {offsets = [0, 0, 0], sizes = [256, 20, 64], strides = [1, 1, 1]} : vector<256x20x128xf32> to vector<256x20x64xf32>
    %broadcast_in_dim3A_29 = vector.shape_cast %eq3A_26 : vector<256x20x1xi1> to vector<256x20x1xi1>
    %broadcast_in_dim3A_30 = vector.broadcast %broadcast_in_dim3A_29 : vector<256x20x1xi1> to vector<256x20x64xi1>
    %select_n3A_31 = arith.select %broadcast_in_dim3A_30, %slice3A_27, %slice3A_28 : vector<256x20x64xi1>, vector<256x20x64xf32>
    %reduce_sum3A_32 = arith.constant dense<0.000000e+00> : vector<256x64xf32>
    %reduce_sum3A_33 = vector.multi_reduction <add>, %select_n3A_31, %reduce_sum3A_32 [1] : vector<256x20x64xf32> to vector<256x64xf32>
    %get3A_34 = arith.constant 0 : index
    %get3A_35 = arith.constant 0 : index
    %get3A_36 = vector.load %arg8[%get3A_34, %get3A_35] : memref<1x64xf32, #tpu.memory_space<vmem>>, vector<1x64xf32>
    %add3A_37 = vector.broadcast %get3A_36 : vector<1x64xf32> to vector<256x64xf32>
    %add3A_38 = arith.addf %reduce_sum3A_33, %add3A_37 : vector<256x64xf32>
    %tanh3A_39 = math.tanh %add3A_38 : vector<256x64xf32>
    %get3A_40 = arith.constant 0 : index
    %get3A_41 = arith.constant 0 : index
    %get3A_42 = arith.constant 0 : index
    %get3A_43 = vector.load %arg3[%get3A_40, %get3A_41, %get3A_42] : memref<256x20x128xf32, #tpu.memory_space<vmem>>, vector<256x20x128xf32>
    %get3A_44 = arith.constant 0 : index
    %get3A_45 = arith.constant 0 : index
    %get3A_46 = vector.load %arg6[%get3A_44, %get3A_45] : memref<256x20xi32, #tpu.memory_space<vmem>>, vector<256x20xi32>
    %broadcast_in_dim3A_47 = vector.shape_cast %get3A_46 : vector<256x20xi32> to vector<256x20x1xi32>
    %eq3A_48 = arith.constant 1 : i32
    %eq3A_49 = vector.broadcast %eq3A_48 : i32 to vector<256x20x1xi32>
    %eq3A_50 = arith.cmpi eq, %broadcast_in_dim3A_47, %eq3A_49 : vector<256x20x1xi32>
    %slice3A_51 = vector.extract_strided_slice %get3A_43 {offsets = [0, 0, 64], sizes = [256, 20, 64], strides = [1, 1, 1]} : vector<256x20x128xf32> to vector<256x20x64xf32>
    %slice3A_52 = vector.extract_strided_slice %get3A_43 {offsets = [0, 0, 0], sizes = [256, 20, 64], strides = [1, 1, 1]} : vector<256x20x128xf32> to vector<256x20x64xf32>
    %broadcast_in_dim3A_53 = vector.shape_cast %eq3A_50 : vector<256x20x1xi1> to vector<256x20x1xi1>
    %broadcast_in_dim3A_54 = vector.broadcast %broadcast_in_dim3A_53 : vector<256x20x1xi1> to vector<256x20x64xi1>
    %select_n3A_55 = arith.select %broadcast_in_dim3A_54, %slice3A_51, %slice3A_52 : vector<256x20x64xi1>, vector<256x20x64xf32>
    %reduce_sum3A_56 = arith.constant dense<0.000000e+00> : vector<256x64xf32>
    %reduce_sum3A_57 = vector.multi_reduction <add>, %select_n3A_55, %reduce_sum3A_56 [1] : vector<256x20x64xf32> to vector<256x64xf32>
    %get3A_58 = arith.constant 0 : index
    %get3A_59 = arith.constant 0 : index
    %get3A_60 = vector.load %arg8[%get3A_58, %get3A_59] : memref<1x64xf32, #tpu.memory_space<vmem>>, vector<1x64xf32>
    %add3A_61 = vector.broadcast %get3A_60 : vector<1x64xf32> to vector<256x64xf32>
    %add3A_62 = arith.addf %reduce_sum3A_57, %add3A_61 : vector<256x64xf32>
    %tanh3A_63 = math.tanh %add3A_62 : vector<256x64xf32>
    %mul3A = arith.mulf %tanh3A, %tanh3A : vector<256x64xf32>
    %reduce_sum3A_64 = arith.constant dense<0.000000e+00> : vector<256xf32>
    %reduce_sum3A_65 = vector.multi_reduction <add>, %mul3A, %reduce_sum3A_64 [1] : vector<256x64xf32> to vector<256xf32>
    %max3A = arith.constant 9.99999996E-13 : f32
    %max3A_66 = vector.broadcast %max3A : f32 to vector<256xf32>
    %max3A_67 = arith.maximumf %reduce_sum3A_65, %max3A_66 : vector<256xf32>
    %rsqrt3A = math.rsqrt %max3A_67 : vector<256xf32>
    %mul3A_68 = arith.mulf %tanh3A_39, %tanh3A_39 : vector<256x64xf32>
    %reduce_sum3A_69 = arith.constant dense<0.000000e+00> : vector<256xf32>
    %reduce_sum3A_70 = vector.multi_reduction <add>, %mul3A_68, %reduce_sum3A_69 [1] : vector<256x64xf32> to vector<256xf32>
    %max3A_71 = arith.constant 9.99999996E-13 : f32
    %max3A_72 = vector.broadcast %max3A_71 : f32 to vector<256xf32>
    %max3A_73 = arith.maximumf %reduce_sum3A_70, %max3A_72 : vector<256xf32>
    %rsqrt3A_74 = math.rsqrt %max3A_73 : vector<256xf32>
    %mul3A_75 = arith.mulf %tanh3A_63, %tanh3A_63 : vector<256x64xf32>
    %reduce_sum3A_76 = arith.constant dense<0.000000e+00> : vector<256xf32>
    %reduce_sum3A_77 = vector.multi_reduction <add>, %mul3A_75, %reduce_sum3A_76 [1] : vector<256x64xf32> to vector<256xf32>
    %max3A_78 = arith.constant 9.99999996E-13 : f32
    %max3A_79 = vector.broadcast %max3A_78 : f32 to vector<256xf32>
    %max3A_80 = arith.maximumf %reduce_sum3A_77, %max3A_79 : vector<256xf32>
    %rsqrt3A_81 = math.rsqrt %max3A_80 : vector<256xf32>
    %mul3A_82 = arith.mulf %tanh3A, %tanh3A_39 : vector<256x64xf32>
    %reduce_sum3A_83 = arith.constant dense<0.000000e+00> : vector<256xf32>
    %reduce_sum3A_84 = vector.multi_reduction <add>, %mul3A_82, %reduce_sum3A_83 [1] : vector<256x64xf32> to vector<256xf32>
    %mul3A_85 = arith.mulf %tanh3A, %tanh3A_63 : vector<256x64xf32>
    %reduce_sum3A_86 = arith.constant dense<0.000000e+00> : vector<256xf32>
    %reduce_sum3A_87 = vector.multi_reduction <add>, %mul3A_85, %reduce_sum3A_86 [1] : vector<256x64xf32> to vector<256xf32>
    %mul3A_88 = arith.mulf %reduce_sum3A_84, %rsqrt3A : vector<256xf32>
    %mul3A_89 = arith.mulf %mul3A_88, %rsqrt3A_74 : vector<256xf32>
    %neg3A = arith.constant 0.000000e+00 : f32
    %neg3A_90 = vector.broadcast %neg3A : f32 to vector<256xf32>
    %neg3A_91 = arith.subf %neg3A_90, %mul3A_89 : vector<256xf32>
    %swap3A = arith.constant 0 : index
    %swap3A_92 = vector.load %arg9[%swap3A] : memref<256xf32, #tpu.memory_space<vmem>>, vector<256xf32>
    tpu.vector_store %arg9[%swap3A], %neg3A_91 {strides = array<i32>} : memref<256xf32, #tpu.memory_space<vmem>>, vector<256xf32>,
    %mul3A_93 = arith.mulf %reduce_sum3A_87, %rsqrt3A : vector<256xf32>
    %mul3A_94 = arith.mulf %mul3A_93, %rsqrt3A_81 : vector<256xf32>
    %neg3A_95 = arith.constant 0.000000e+00 : f32
    %neg3A_96 = vector.broadcast %neg3A_95 : f32 to vector<256xf32>
    %neg3A_97 = arith.subf %neg3A_96, %mul3A_94 : vector<256xf32>
    %swap3A_98 = arith.constant 0 : index
    %swap3A_99 = vector.load %arg10[%swap3A_98] : memref<256xf32, #tpu.memory_space<vmem>>, vector<256xf32>
    tpu.vector_store %arg10[%swap3A_98], %neg3A_97 {strides = array<i32>} : memref<256xf32, #tpu.memory_space<vmem>>, vector<256xf32>,
    return
  }
  func.func @transform_0(%arg0: i32) -> (i32, i32, i32) {
    %c0_i32 = arith.constant 0 : i32
    %c0_i32_0 = arith.constant 0 : i32
    %c0_i32_1 = arith.constant 0 : i32
    return %arg0, %c0_i32, %c0_i32_0 : i32, i32, i32
  }
  func.func @transform_1(%arg0: i32) -> (i32, i32, i32) {
    %c0_i32 = arith.constant 0 : i32
    %c0_i32_0 = arith.constant 0 : i32
    %c0_i32_1 = arith.constant 0 : i32
    return %arg0, %c0_i32, %c0_i32_0 : i32, i32, i32
  }
  func.func @transform_2(%arg0: i32) -> (i32, i32, i32) {
    %c0_i32 = arith.constant 0 : i32
    %c0_i32_0 = arith.constant 0 : i32
    %c0_i32_1 = arith.constant 0 : i32
    return %arg0, %c0_i32, %c0_i32_0 : i32, i32, i32
  }
  func.func @transform_3(%arg0: i32) -> (i32, i32) {
    %c0_i32 = arith.constant 0 : i32
    %c0_i32_0 = arith.constant 0 : i32
    return %arg0, %c0_i32 : i32, i32
  }
  func.func @transform_4(%arg0: i32) -> (i32, i32) {
    %c0_i32 = arith.constant 0 : i32
    %c0_i32_0 = arith.constant 0 : i32
    return %arg0, %c0_i32 : i32, i32
  }
  func.func @transform_5(%arg0: i32) -> (i32, i32) {
    %c0_i32 = arith.constant 0 : i32
    %c0_i32_0 = arith.constant 0 : i32
    return %arg0, %c0_i32 : i32, i32
  }
  func.func @transform_6(%arg0: i32) -> (i32, i32) {
    %c0_i32 = arith.constant 0 : i32
    %c0_i32_0 = arith.constant 0 : i32
    %c0_i32_1 = arith.constant 0 : i32
    return %c0_i32, %c0_i32_0 : i32, i32
  }
  func.func @transform_7(%arg0: i32) -> (i32, i32) {
    %c0_i32 = arith.constant 0 : i32
    %c0_i32_0 = arith.constant 0 : i32
    %c0_i32_1 = arith.constant 0 : i32
    return %c0_i32, %c0_i32_0 : i32, i32
  }
  func.func @transform_8(%arg0: i32) -> i32 {
    %c0_i32 = arith.constant 0 : i32
    return %arg0 : i32
  }
  func.func @transform_9(%arg0: i32) -> i32 {
    %c0_i32 = arith.constant 0 : i32
    return %arg0 : i32
  }
}

</mosaic_0001>

<sc_bundles>
// kernel: kernel.4.cloned.1.call-start
scs
__scs_entry_jumppad:
0x0: {  	(pc) =	sbr.rel $0x88, $3  }
0x1: {  	(tag) =	ssettag $0x0;
	lr =	simm.s32 $0x1  }
0x2: {  	[smem:$0x3F9A] =	sst lr;
	_ =	strace $0xD0000000  }
0x3: {  	_ = 	snop  }
0x4: {  	_ = 	snop  }
0x5: {  	_ = 	snop  }
0x6: {  	_ = 	snop  }
0x7: {  	_ = 	snop  }
__scs_overlays_trampoline_lowered:
0x8: {  	[smem:$0x3FA9] =	sst s0  }
0x9: {  	[smem:$0x3FAA] =	sst s1  }
0xa: {  	[smem:$0x3FAB] =	sst s2  }
0xb: {  	[smem:$0x3FAC] =	sst s3  }
0xc: {  	[smem:$0x3FAD] =	sst s4  }
0xd: {  	[smem:$0x3FAE] =	sst s5  }
0xe: {  	[smem:$0x3FAF] =	sst s6  }
0xf: {  	[smem:$0x3FB0] =	sst s7  }
0x10: {  	[smem:$0x3FB1] =	sst s8  }
0x11: {  	[smem:$0x3FB2] =	sst s9;
	s0 =	simm.s32 @!p0 $0x0  }
0x12: {  	s1 =	sld [smem:$0x3F98];
	s0 =	simm.s32 @p0 $0x1  }
0x13: {  	[smem:$0x3FB3] =	sst s0;
	s0 =	simm.s32 @!p1 $0x0  }
0x14: {  	s2 =	sld [smem:$0x3F97];
	s0 =	simm.s32 @p1 $0x1  }
0x15: {  	[smem:$0x3FB4] =	sst s0;
	s0 =	simm.s32 @!p2 $0x0  }
0x16: {  	s3 =	sld [smem:$0x3FDB];
	s0 =	simm.s32 @p2 $0x1  }
0x17: {  	s4 =	simm.s32 $0x1BF5;
	[smem:$0x3FB6] =	sst s0  }
0x18: {  	s0 =	sld [smem:$0x3F99];
	_ =	swait.ge [sflag:s4], $0x0  }
0x19: {  	s7 =	sld [smem:$0x3F9A]  }
0x1a: {  	s8 =	sadd.s32 $0xFFFFE003, lr  }
0x1b: {  	s9 =	sadd.s32 $0xFFFFFEF7, lr;
	s5 =	simm.s32 $0xFFFFFFFF;
	p2 =	slt.u32 s8, $0xFFFFF086  }
0x1c: {  	p1 =	slt.u32 s9, $0xF7A;
	s5 =	simm.s32 @!p2 $0x0  }
0x1d: {  	s5 =	simm.s32 @p1 $0x1;
	p0 =	seq.s32 s7, s2  }
0x1e: {  	s7 =	smul.u32 @!p0 $0xF7A, s2;
	p2 =	seq.s32 @!p0 s5, $0x0  }
0x1f: {  	s9 =	smul.u32 $0xF7A, s1;
	s8 =	simm.s32 @!p0 $0x1BF5;
	p2 =	por !p2, p0  }
0x20: {  	[sflag:s8] =	ssyncset.s32 @!p0 $0xFFFFF086;
	s6 =	sadd.s32 @!p0 s3, s7;
	s7 =	simm.s32 @!p0 $0x108  }
0x21: {  	s3 =	sadd.s32 s3, s9;
	s6 =	sadd.s32 @!p0 $0x88, s6;
	s7 =	simm.s32 @p2 $0x1082  }
0x22: {  	[simem:s7], [sflag:s8] =	dma.local @!p0 [hbm:s6], $0xF7A  }
0x23: {  	s9 =	sor.u32 $0xD0000000, s2;
	s6 =	simm.s32 $0x108;
	_ =	swait.ge @!p0 [sflag:s8], $0x0  }
0x24: {  	s3 =	sadd.s32 $0x88, s3;
	s6 =	simm.s32 @!p1 $0x1082;
	[sflag:s4] =	ssyncset.s32 $0xFFFFF086  }
0x25: {  	[simem:s6], [sflag:s4] =	dma.local [hbm:s3], $0xF7A  }
0x26: {  	[smem:$0x3F9A] =	sst s1;
	(tag) =	ssettag s2;
	_ =	strace s9  }
0x27: {  	s1 =	sld [smem:$0x3FAA]  }
0x28: {  	s2 =	sld [smem:$0x3FAB]  }
0x29: {  	s4 =	sld [smem:$0x3FAD]  }
0x2a: {  	p0 =	seq.s32 s5, $0x0;
	s5 =	sld [smem:$0x3FAE]  }
0x2b: {  	s6 =	sld [smem:$0x3FAF]  }
0x2c: {  	s7 =	sld [smem:$0x3FB0]  }
0x2d: {  	s3 =	simm.s32 $0x108;
	s8 =	sld [smem:$0x3FB1]  }
0x2e: {  	s3 =	simm.s32 @!p0 $0x1082;
	s9 =	sld [smem:$0x3FB2]  }
0x2f: {  	lr =	sadd.s32 s0, s3;
	s0 =	sld [smem:$0x3FA9]  }
0x30: {  	s3 =	sld [smem:$0x3FAC]  }
0x31: {  	[smem:$0x3FB5] =	sst s10  }
0x32: {  	s10 =	sld [smem:$0x3FB3];
	_ =	sdelay $0x3  }
0x33: {  	p0 =	seq.s32 s10, $0x1;
	s10 =	sld [smem:$0x3FB5];
	_ =	sdelay $0x3  }
0x34: {  	[smem:$0x3FB5] =	sst s10  }
0x35: {  	s10 =	sld [smem:$0x3FB4];
	_ =	sdelay $0x3  }
0x36: {  	p1 =	seq.s32 s10, $0x1;
	s10 =	sld [smem:$0x3FB5];
	_ =	sdelay $0x3  }
0x37: {  	[smem:$0x3FB5] =	sst s10  }
0x38: {  	s10 =	sld [smem:$0x3FB6]  }
0x39: {  	_ = 	snop;
	(pc) =	sbr.ind lr, $3  }
0x3a: {  	_ = 	snop  }
0x3b: {  	_ = 	snop  }
0x3c: {  	p2 =	seq.s32 s10, $0x1;
	s10 =	sld [smem:$0x3FB5]  }
0x3d: {  	_ =	shalt  }
0x3e: {  	_ =	shalt  }
0x3f: {  	_ =	shalt  }
0x40: {  	_ =	shalt  }
0x41: {  	_ =	shalt  }
0x42: {  	_ =	shalt  }
0x43: {  	_ =	shalt  }
0x44: {  	_ =	shalt  }
0x45: {  	_ =	shalt  }
0x46: {  	_ =	shalt  }
0x47: {  	_ =	shalt  }
0x48: {  	_ =	shalt  }
0x49: {  	_ =	shalt  }
0x4a: {  	_ =	shalt  }
0x4b: {  	_ =	shalt  }
0x4c: {  	_ =	shalt  }
0x4d: {  	_ =	shalt  }
0x4e: {  	_ =	shalt  }
0x4f: {  	_ =	shalt  }
0x50: {  	_ =	shalt  }
0x51: {  	_ =	shalt  }
0x52: {  	_ =	shalt  }
0x53: {  	_ =	shalt  }
0x54: {  	_ =	shalt  }
0x55: {  	_ =	shalt  }
0x56: {  	_ =	shalt  }
0x57: {  	_ =	shalt  }
0x58: {  	_ =	shalt  }
0x59: {  	_ =	shalt  }
0x5a: {  	_ =	shalt  }
0x5b: {  	_ =	shalt  }
0x5c: {  	_ =	shalt  }
0x5d: {  	_ =	shalt  }
0x5e: {  	_ =	shalt  }
0x5f: {  	_ =	shalt  }
0x60: {  	_ =	shalt  }
0x61: {  	_ =	shalt  }
0x62: {  	_ =	shalt  }
0x63: {  	_ =	shalt  }
0x64: {  	_ =	shalt  }
0x65: {  	_ =	shalt  }
0x66: {  	_ =	shalt  }
0x67: {  	_ =	shalt  }
0x68: {  	_ =	shalt  }
0x69: {  	_ =	shalt  }
0x6a: {  	_ =	shalt  }
0x6b: {  	_ =	shalt  }
0x6c: {  	_ =	shalt  }
0x6d: {  	_ =	shalt  }
0x6e: {  	_ =	shalt  }
0x6f: {  	_ =	shalt  }
0x70: {  	_ =	shalt  }
0x71: {  	_ =	shalt  }
0x72: {  	_ =	shalt  }
0x73: {  	_ =	shalt  }
0x74: {  	_ =	shalt  }
0x75: {  	_ =	shalt  }
0x76: {  	_ =	shalt  }
0x77: {  	_ =	shalt  }
0x78: {  	_ =	shalt  }
0x79: {  	_ =	shalt  }
0x7a: {  	_ =	shalt  }
0x7b: {  	_ =	shalt  }
0x7c: {  	_ =	shalt  }
0x7d: {  	_ =	shalt  }
0x7e: {  	_ =	shalt  }
0x7f: {  	_ =	shalt  }
0x80: {  	_ =	shalt  }
0x81: {  	_ =	shalt  }
0x82: {  	_ =	shalt  }
0x83: {  	_ =	shalt  }
0x84: {  	_ =	shalt  }
0x85: {  	_ =	shalt  }
0x86: {  	_ =	shalt  }
0x87: {  	_ =	shalt  }
.Lfunc_end0:
.L_simem_size_0:
called_computation_lowered:
.L_overlay_start_0:
0x88: {  	s2 =	sld [smem:$0x3FD9]  }
0x89: {  	s3 =	sld [smem:$0x3FFE];
	_ =	sdelay $0x1  }
0x8a: {  	s1 =	srdreg.scid  }
0x8b: {  	s0 =	sand.u32 $0x1, s1  }
0x8c: {  	s16 =	sshll.u32 s0, $0xA;
	s2 =	sadd.s32 s3, s2  }
0x8d: {  	s2 =	sadd.s32 s2, s16  }
0x8e: {  	[smem:$0x3FC1] =	sst s2  }
0x8f: {  	_ = 	snop  }
0x90: {  	(tm) =	ssettm $0x1  }
0x91: {  	s17 =	sld [smem:$0x3FFB];
	_ =	sdelay $0x3  }
0x92: {  	_ =	strace s17  }
0x93: {  	s2 =	sld [smem:$0x3FFC];
	_ =	sdelay $0x3  }
0x94: {  	_ =	strace s2  }
0x95: {  	s2 =	sld [smem:$0x3FFD];
	_ =	sdelay $0x3  }
0x96: {  	_ =	strace s2  }
0x97: {  	_ =	strace $0x8FFFFFFF  }
0x98: {  	s18 =	sld [smem:$0x3FDB];
	_ =	sdelay $0x1  }
0x99: {  	s19 =	simm.s32 $_scs_section_size  }
0x9a: {  	s4 =	simm.s32 $_size__tile_overlayer_lowered;
	s5 =	simm.s32 $_tile_overlayer_lowered  }
0x9b: {  	s22 =	simm.s32 $0x1BFF;
	s21 =	sshll.u32 s5, $0x1;
	s2 =	sadd.s32 s19, s18  }
0x9c: {  	s6 =	simm.s32 $0x0;
	s20 =	sshll.u32 s4, $0x1;
	s4 =	sadd.s32 s21, s2  }
0x9d: {  	[timem:s6], [sflag:s22] =	dma.local [hbm:s4], s20  }
0x9e: {  	_ =	swait.ge [sflag:s22], s20  }
0x9f: {  	s3 =	ssub.s32 $0x0, s20;
	[sflag:s22] =	ssyncset.done $0x0  }
0xa0: {  	[sflag:s22] =	ssyncadd.s32 s3;
	_ =	sdelay $0x1  }
0xa1: {  	s23 =	simm.s32 $0x1B8B  }
0xa2: {  	_ =	swait.ge [sflag:s23], $0x1  }
0xa3: {  	[sflag:s23] =	ssyncset.done $0x0  }
0xa4: {  	s25 =	simm.s32 $0x1B8E;
	s24 =	sld [smem:$0x3FFE];
	[sflag:s23] =	ssyncadd.s32 $0xFFFFFFFF  }
0xa5: {  	s26 =	simm.s32 $execute0_lowered;
	[smem:$0x3FD2] =	sst s25  }
0xa6: {  	s4 =	sshll.u32 s26, $0x1;
	_ =	strace $0x80000046;
	[dreg:$0x1] =	wrdreg $0xFFFFFFFF  }
0xa7: {  	s28 =	simm.s32 $_size_execute0_lowered;
	s2 =	sadd.s32 s2, s4;
	[dreg:$0x0] =	wrdreg $0x0  }
0xa8: {  	s4 =	sshll.u32 s28, $0x1;
	[dreg:$0x2] =	wrdreg s2  }
0xa9: {  	[dreg:$0x3] =	wrdreg s4  }
0xaa: {  	[dreg:$0x4] =	wrdreg $0xC0  }
0xab: {  	_ =	task [dreg:s6], $0x5FFFF  }
0xac: {  	[dreg:$0x1] =	wrdreg $0xFFFFFFFF  }
0xad: {  	[dreg:$0x0] =	wrdreg $0x60  }
0xae: {  	[dreg:$0x2] =	wrdreg s24  }
0xaf: {  	[dreg:$0x3] =	wrdreg $0x9  }
0xb0: {  	_ =	task.clear_ibuf [dreg:s6], $0x4FFFF;
	_ =	strace $0x90000046  }
0xb1: {  	s29 =	simm.s32 $0x9;
	_ =	strace $0x80000048  }
0xb2: {  	_ =	swait.ge [sflag:s29], $0x1  }
0xb3: {  	[sflag:s29] =	ssyncadd.s32 $0xFFFFFFFF  }
0xb4: {  	_ =	strace $0x90000048  }
0xb5: {  	_ =	sfence  }
0xb6: {  	s30 =	sld [smem:$0x0];
	_ =	sdelay $0x2  }
0xb7: {  	s31 =	sshll.u32 s1, $0xD;
	s1 =	sshrl.u32 s1, $0x2  }
0xb8: {  	s3 =	sand.u32 $0x4000, s31;
	s1 =	sadd.s32 s1, s30  }
0xb9: {  	s0 =	sor.u32 s3, s0;
	s1 =	sshll.u32 s1, $0x11  }
0xba: {  	s0 =	sor.u32 s1, s0  }
0xbb: {  	s0 =	sadd.s32 $0x8F2B, s0  }
0xbc: {  	[sflag:s0] =	ssyncadd.remote.s32 $0x1  }
0xbd: {  	_ =	sfence.sel $0xFFFF  }
0xbe: {  	[dreg:$0x0] =	wrdreg $0xFFFFFFFF;
	(pc) =	sbr.abs _section_cstart, $3  }
0xbf: {  	[dreg:$0x1] =	wrdreg $0xFFFFFFFF  }
0xc0: {  	_ =	task.clear_ibuf [dreg:s6], $0x2FFFF;
	_ =	strace $0x9FFFFFFF  }
0xc1: {  	(tm) =	ssettm $0x7FFFFFFF  }
tec
execute0_lowered:
.L_overlay_start_1:
0x0: {  	(tag) =	ssettag $0x1  }
0x1: {  	s1 =	srdreg.scid  }
0x2: {  	s3 =	stileid.u32;
	s1 =	sand.u32 $0x1, s1  }
0x3: {  	s3 =	sshll.u32 s3, $0x8;
	s4 =	sshll.u32 s1, $0x7  }
0x4: {  	s0 =	rddreg [dreg:$0x0];
	s2 =	simm.s32 $0x0;
	s4 =	sor.u32 s4, s3  }
0x5: {  	p0 =	por $0x0, $0x0;
	[smem:$0x7FF] =	sst s2;
	s3 =	smul.u32 $0x14, s4  }
0x6: {  	s29 =	sadd.s32 $0xF43E00, s0;
	s9 =	smul.u32 $0x140, s4;
	s10 =	sor.u32 $0x20, s4  }
0x7: {  	s5 =	sadd.s32 $0x1A00, s0;
	s6 =	sadd.s32 $0x6A00, s0;
	s12 =	smul.u32 $0x14, s10  }
0x8: {  	s7 =	sadd.s32 $0x9200, s0;
	s13 =	sor.u32 $0x40, s4;
	s10 =	smul.u32 $0x140, s10  }
0x9: {  	s15 =	sadd.s32 $0x4200, s0;
	s1 =	ssub.s32 $0x2, s1;
	s14 =	smul.u32 $0x14, s13  }
0xa: {  	s18 =	sshrl.u32 s1, $0x1;
	s4 =	sor.u32 $0x60, s4;
	s13 =	smul.u32 $0x140, s13  }
0xb: {  	s17 =	sadd.s32 $0x149200, s0;
	s1 =	ssub.s32 s1, s18;
	s16 =	smul.u32 $0x14, s4  }
0xc: {  	_ =	strace $0x80000047;
	s4 =	smul.u32 $0x140, s4;
	s1 =	smax.u32 s1, $0x1  }
0xd: {  	s8 =	sshrl.u32 s3, $0x3;
	s21 =	sadd.s32 s7, s9;
	s30 =	sadd.s32 s17, s9  }
0xe: {  	p1 =	sne.s32 s1, $0x1;
	s3 =	sadd.s32 s6, s8;
	s11 =	sadd.s32 s5, s8  }
0xf: {  	s12 =	sshrl.u32 s12, $0x3;
	[dreg:$0x4] =	wrdreg s21;
	s23 =	sadd.s32 s7, s10  }
0x10: {  	s14 =	sshrl.u32 s14, $0x3;
	s25 =	sadd.s32 s7, s13;
	s16 =	sshrl.u32 s16, $0x3  }
0x11: {  	s26 =	sadd.s32 s7, s4;
	s31 =	sadd.s32 s15, s8;
	[dreg:$0x2] =	wrdreg s3  }
0x12: {  	s8 =	simm.s32 $0x80;
	s7 =	simm.s32 $0x1;
	[dreg:$0x3] =	wrdreg s11  }
0x13: {  	s3 =	sadd.s32 $0x16E5000, s0;
	s22 =	sadd.s32 s5, s12;
	[dreg:$0x6] =	wrdreg s23  }
0x14: {  	s24 =	sadd.s32 s5, s14;
	[dreg:$0x8] =	wrdreg s25;
	s5 =	sadd.s32 s5, s16  }
0x15: {  	s0 =	sadd.s32 $0x289200, s0;
	[dreg:$0xa] =	wrdreg s26;
	s28 =	sadd.s32 s15, s12  }
0x16: {  	s26 =	sadd.s32 s17, s10;
	s25 =	sadd.s32 s15, s14;
	s23 =	sadd.s32 s15, s16  }
0x17: {  	s20 =	sadd.s32 s6, s12;
	s18 =	sadd.s32 s6, s14;
	[dreg:$0x5] =	wrdreg s22  }
0x18: {  	s11 =	simm.s32 $0x100;
	s14 =	simm.s32 $0x180;
	[dreg:$0x7] =	wrdreg s24  }
0x19: {  	s15 =	simm.s32 $0xC280;
	[dreg:$0x9] =	wrdreg s5;
	s24 =	sadd.s32 s17, s13  }
.Ltmp0:
0x1a: {  	s22 =	sadd.s32 s17, s4;
	s21 =	sadd.s32 s0, s9;
	(pc) =	sbr.rel @!p1 .LBB2_3-.Ltmp0, $4  }
0x1b: {  	s19 =	sadd.s32 s0, s10;
	s12 =	sadd.s32 s0, s13;
	s9 =	sadd.s32 s6, s16  }
0x1c: {  	s5 =	sadd.s32 s0, s4;
	s4 =	simm.s32 $0x2;
	s6 =	simm.s32 $0x280  }
0x1d: {  	s10 =	simm.s32 $0x4280;
	s0 =	sadd.s32 $0xFFFFFFFF, s1;
	s13 =	simm.s32 $0x8280  }
0x1e: {  	s16 =	simm.s32 $0x200;
	s17 =	simm.s32 $0x10280;
	s1 =	rddreg [dreg:$0x3]  }
0x1f: {  	[tilespmem:s2], [sflag:$0x2] =	stream.linear.gather [hbm4b:s1+s2], $0x280, $0x38;
	[tilespmem:$0x14280] =	vst v63  }
0x20: {  	_ =	swait.ge [sflag:s4], $0x280  }
0x21: {  	[sflag:s4] =	ssyncset.done $0x0  }
0x22: {  	[sflag:s4] =	ssyncadd.s32 $0xFFFFFD80  }
0x23: {  	[tilespmem:s6], [sflag:$0x1] =	stream.indirect.gather [hbm4b:s29+s8], $0x80, s2, s8, $0xb8;
	[tilespmem:$0x14280] =	vst v63  }
0x24: {  	_ = 	snop  }
0x25: {  	[tilespmem:s10], [sflag:$0x1] =	stream.indirect.gather [hbm4b:s29+s8], $0x80, s8, s8, $0xb8;
	[tilespmem:$0x14280] =	vst v63  }
0x26: {  	_ = 	snop  }
0x27: {  	[tilespmem:s13], [sflag:$0x1] =	stream.indirect.gather [hbm4b:s29+s8], $0x80, s11, s8, $0xb8;
	[tilespmem:$0x14280] =	vst v63  }
0x28: {  	_ = 	snop  }
0x29: {  	[tilespmem:s15], [sflag:$0x1] =	stream.indirect.gather [hbm4b:s29+s8], $0x80, s14, s8, $0xb8;
	[tilespmem:$0x14280] =	vst v63  }
0x2a: {  	_ = 	snop  }
0x2b: {  	[tilespmem:s17], [sflag:$0x1] =	stream.indirect.gather [hbm4b:s29+s8], $0x80, s16, s8, $0xb8;
	[tilespmem:$0x14280] =	vst v63  }
0x2c: {  	_ =	swait.ge [sflag:s7], $0x4000  }
0x2d: {  	[sflag:s7] =	ssyncset.done $0x0  }
0x2e: {  	[sflag:s7] =	ssyncadd.s32 $0xFFFFC000  }
0x2f: {  	_ =	swait.ge [sflag:s7], $0x4000  }
0x30: {  	[sflag:s7] =	ssyncset.done $0x0  }
0x31: {  	[sflag:s7] =	ssyncadd.s32 $0xFFFFC000  }
0x32: {  	_ =	swait.ge [sflag:s7], $0x4000  }
0x33: {  	[sflag:s7] =	ssyncset.done $0x0  }
0x34: {  	[sflag:s7] =	ssyncadd.s32 $0xFFFFC000  }
0x35: {  	_ =	swait.ge [sflag:s7], $0x4000  }
0x36: {  	[sflag:s7] =	ssyncset.done $0x0  }
0x37: {  	[sflag:s7] =	ssyncadd.s32 $0xFFFFC000  }
0x38: {  	_ =	swait.ge [sflag:s7], $0x4000  }
0x39: {  	[sflag:s7] =	ssyncset.done $0x0  }
0x3a: {  	s1 =	rddreg [dreg:$0x4];
	[sflag:s7] =	ssyncadd.s32 $0xFFFFC000  }
0x3b: {  	[hbm4b:s1+s2] =	stream.linear.scatter [tilespmem:s6], [sflag:$0x2], $0x14000, $0x38;
	[tilespmem:$0x14280] =	vst v63  }
0x3c: {  	_ =	swait.ge [sflag:s4], $0x14000  }
0x3d: {  	[sflag:s4] =	ssyncset.done $0x0  }
0x3e: {  	s1 =	rddreg [dreg:$0x5];
	[sflag:s4] =	ssyncadd.s32 $0xFFFEC000  }
0x3f: {  	[tilespmem:s2], [sflag:$0x2] =	stream.linear.gather [hbm4b:s1+s2], $0x280, $0x38;
	[tilespmem:$0x14280] =	vst v63  }
0x40: {  	_ =	swait.ge [sflag:s4], $0x280  }
0x41: {  	[sflag:s4] =	ssyncset.done $0x0  }
0x42: {  	[sflag:s4] =	ssyncadd.s32 $0xFFFFFD80  }
0x43: {  	[tilespmem:s6], [sflag:$0x1] =	stream.indirect.gather [hbm4b:s29+s8], $0x80, s2, s8, $0xb8;
	[tilespmem:$0x14280] =	vst v63  }
0x44: {  	_ = 	snop  }
0x45: {  	[tilespmem:s10], [sflag:$0x1] =	stream.indirect.gather [hbm4b:s29+s8], $0x80, s8, s8, $0xb8;
	[tilespmem:$0x14280] =	vst v63  }
0x46: {  	_ = 	snop  }
0x47: {  	[tilespmem:s13], [sflag:$0x1] =	stream.indirect.gather [hbm4b:s29+s8], $0x80, s11, s8, $0xb8;
	[tilespmem:$0x14280] =	vst v63  }
0x48: {  	_ = 	snop  }
0x49: {  	[tilespmem:s15], [sflag:$0x1] =	stream.indirect.gather [hbm4b:s29+s8], $0x80, s14, s8, $0xb8;
	[tilespmem:$0x14280] =	vst v63  }
0x4a: {  	_ = 	snop  }
0x4b: {  	[tilespmem:s17], [sflag:$0x1] =	stream.indirect.gather [hbm4b:s29+s8], $0x80, s16, s8, $0xb8;
	[tilespmem:$0x14280] =	vst v63  }
0x4c: {  	_ =	swait.ge [sflag:s7], $0x4000  }
0x4d: {  	[sflag:s7] =	ssyncset.done $0x0  }
0x4e: {  	[sflag:s7] =	ssyncadd.s32 $0xFFFFC000  }
0x4f: {  	_ =	swait.ge [sflag:s7], $0x4000  }
0x50: {  	[sflag:s7] =	ssyncset.done $0x0  }
0x51: {  	[sflag:s7] =	ssyncadd.s32 $0xFFFFC000  }
0x52: {  	_ =	swait.ge [sflag:s7], $0x4000  }
0x53: {  	[sflag:s7] =	ssyncset.done $0x0  }
0x54: {  	[sflag:s7] =	ssyncadd.s32 $0xFFFFC000  }
0x55: {  	_ =	swait.ge [sflag:s7], $0x4000  }
0x56: {  	[sflag:s7] =	ssyncset.done $0x0  }
0x57: {  	[sflag:s7] =	ssyncadd.s32 $0xFFFFC000  }
0x58: {  	_ =	swait.ge [sflag:s7], $0x4000  }
0x59: {  	[sflag:s7] =	ssyncset.done $0x0  }
0x5a: {  	s1 =	rddreg [dreg:$0x6];
	[sflag:s7] =	ssyncadd.s32 $0xFFFFC000  }
0x5b: {  	[hbm4b:s1+s2] =	stream.linear.scatter [tilespmem:s6], [sflag:$0x2], $0x14000, $0x38;
	[tilespmem:$0x14280] =	vst v63  }
0x5c: {  	_ =	swait.ge [sflag:s4], $0x14000  }
0x5d: {  	[sflag:s4] =	ssyncset.done $0x0  }
0x5e: {  	s1 =	rddreg [dreg:$0x7];
	[sflag:s4] =	ssyncadd.s32 $0xFFFEC000  }
0x5f: {  	[tilespmem:s2], [sflag:$0x2] =	stream.linear.gather [hbm4b:s1+s2], $0x280, $0x38;
	[tilespmem:$0x14280] =	vst v63  }
0x60: {  	_ =	swait.ge [sflag:s4], $0x280  }
0x61: {  	[sflag:s4] =	ssyncset.done $0x0  }
0x62: {  	[sflag:s4] =	ssyncadd.s32 $0xFFFFFD80  }
0x63: {  	[tilespmem:s6], [sflag:$0x1] =	stream.indirect.gather [hbm4b:s29+s8], $0x80, s2, s8, $0xb8;
	[tilespmem:$0x14280] =	vst v63  }
0x64: {  	_ = 	snop  }
0x65: {  	[tilespmem:s10], [sflag:$0x1] =	stream.indirect.gather [hbm4b:s29+s8], $0x80, s8, s8, $0xb8;
	[tilespmem:$0x14280] =	vst v63  }
0x66: {  	_ = 	snop  }
0x67: {  	[tilespmem:s13], [sflag:$0x1] =	stream.indirect.gather [hbm4b:s29+s8], $0x80, s11, s8, $0xb8;
	[tilespmem:$0x14280] =	vst v63  }
0x68: {  	_ = 	snop  }
0x69: {  	[tilespmem:s15], [sflag:$0x1] =	stream.indirect.gather [hbm4b:s29+s8], $0x80, s14, s8, $0xb8;
	[tilespmem:$0x14280] =	vst v63  }
0x6a: {  	_ = 	snop  }
0x6b: {  	[tilespmem:s17], [sflag:$0x1] =	stream.indirect.gather [hbm4b:s29+s8], $0x80, s16, s8, $0xb8;
	[tilespmem:$0x14280] =	vst v63  }
0x6c: {  	_ =	swait.ge [sflag:s7], $0x4000  }
0x6d: {  	[sflag:s7] =	ssyncset.done $0x0  }
0x6e: {  	[sflag:s7] =	ssyncadd.s32 $0xFFFFC000  }
0x6f: {  	_ =	swait.ge [sflag:s7], $0x4000  }
0x70: {  	[sflag:s7] =	ssyncset.done $0x0  }
0x71: {  	[sflag:s7] =	ssyncadd.s32 $0xFFFFC000  }
0x72: {  	_ =	swait.ge [sflag:s7], $0x4000  }
0x73: {  	[sflag:s7] =	ssyncset.done $0x0  }
0x74: {  	[sflag:s7] =	ssyncadd.s32 $0xFFFFC000  }
0x75: {  	_ =	swait.ge [sflag:s7], $0x4000  }
0x76: {  	[sflag:s7] =	ssyncset.done $0x0  }
0x77: {  	[sflag:s7] =	ssyncadd.s32 $0xFFFFC000  }
0x78: {  	_ =	swait.ge [sflag:s7], $0x4000  }
0x79: {  	[sflag:s7] =	ssyncset.done $0x0  }
0x7a: {  	s1 =	rddreg [dreg:$0x8];
	[sflag:s7] =	ssyncadd.s32 $0xFFFFC000  }
0x7b: {  	[hbm4b:s1+s2] =	stream.linear.scatter [tilespmem:s6], [sflag:$0x2], $0x14000, $0x38;
	[tilespmem:$0x14280] =	vst v63  }
0x7c: {  	_ =	swait.ge [sflag:s4], $0x14000  }
0x7d: {  	[sflag:s4] =	ssyncset.done $0x0  }
0x7e: {  	s1 =	rddreg [dreg:$0x9];
	[sflag:s4] =	ssyncadd.s32 $0xFFFEC000  }
0x7f: {  	[tilespmem:s2], [sflag:$0x2] =	stream.linear.gather [hbm4b:s1+s2], $0x280, $0x38;
	[tilespmem:$0x14280] =	vst v63  }
0x80: {  	_ =	swait.ge [sflag:s4], $0x280  }
0x81: {  	[sflag:s4] =	ssyncset.done $0x0  }
0x82: {  	[sflag:s4] =	ssyncadd.s32 $0xFFFFFD80  }
0x83: {  	[tilespmem:s6], [sflag:$0x1] =	stream.indirect.gather [hbm4b:s29+s8], $0x80, s2, s8, $0xb8;
	[tilespmem:$0x14280] =	vst v63  }
0x84: {  	_ = 	snop  }
0x85: {  	[tilespmem:s10], [sflag:$0x1] =	stream.indirect.gather [hbm4b:s29+s8], $0x80, s8, s8, $0xb8;
	[tilespmem:$0x14280] =	vst v63  }
0x86: {  	_ = 	snop  }
0x87: {  	[tilespmem:s13], [sflag:$0x1] =	stream.indirect.gather [hbm4b:s29+s8], $0x80, s11, s8, $0xb8;
	[tilespmem:$0x14280] =	vst v63  }
0x88: {  	_ = 	snop  }
0x89: {  	[tilespmem:s15], [sflag:$0x1] =	stream.indirect.gather [hbm4b:s29+s8], $0x80, s14, s8, $0xb8;
	[tilespmem:$0x14280] =	vst v63  }
0x8a: {  	_ = 	snop  }
0x8b: {  	[tilespmem:s17], [sflag:$0x1] =	stream.indirect.gather [hbm4b:s29+s8], $0x80, s16, s8, $0xb8;
	[tilespmem:$0x14280] =	vst v63  }
0x8c: {  	_ =	swait.ge [sflag:s7], $0x4000  }
0x8d: {  	[sflag:s7] =	ssyncset.done $0x0  }
0x8e: {  	[sflag:s7] =	ssyncadd.s32 $0xFFFFC000  }
0x8f: {  	_ =	swait.ge [sflag:s7], $0x4000  }
0x90: {  	[sflag:s7] =	ssyncset.done $0x0  }
0x91: {  	[sflag:s7] =	ssyncadd.s32 $0xFFFFC000  }
0x92: {  	_ =	swait.ge [sflag:s7], $0x4000  }
0x93: {  	[sflag:s7] =	ssyncset.done $0x0  }
0x94: {  	[sflag:s7] =	ssyncadd.s32 $0xFFFFC000  }
0x95: {  	_ =	swait.ge [sflag:s7], $0x4000  }
0x96: {  	[sflag:s7] =	ssyncset.done $0x0  }
0x97: {  	[sflag:s7] =	ssyncadd.s32 $0xFFFFC000  }
0x98: {  	_ =	swait.ge [sflag:s7], $0x4000  }
0x99: {  	[sflag:s7] =	ssyncset.done $0x0  }
0x9a: {  	s1 =	rddreg [dreg:$0xa];
	[sflag:s7] =	ssyncadd.s32 $0xFFFFC000  }
0x9b: {  	[hbm4b:s1+s2] =	stream.linear.scatter [tilespmem:s6], [sflag:$0x2], $0x14000, $0x38;
	[tilespmem:$0x14280] =	vst v63  }
0x9c: {  	_ =	swait.ge [sflag:s4], $0x14000  }
0x9d: {  	[sflag:s4] =	ssyncset.done $0x0  }
0x9e: {  	[sflag:s4] =	ssyncadd.s32 $0xFFFEC000  }
0x9f: {  	[tilespmem:s2], [sflag:$0x2] =	stream.linear.gather [hbm4b:s31+s2], $0x280, $0x38;
	[tilespmem:$0x14280] =	vst v63  }
0xa0: {  	_ =	swait.ge [sflag:s4], $0x280  }
0xa1: {  	[sflag:s4] =	ssyncset.done $0x0  }
0xa2: {  	[sflag:s4] =	ssyncadd.s32 $0xFFFFFD80  }
0xa3: {  	[tilespmem:s6], [sflag:$0x1] =	stream.indirect.gather [hbm4b:s3+s8], $0x80, s2, s8, $0xb8;
	[tilespmem:$0x14280] =	vst v63  }
0xa4: {  	_ = 	snop  }
0xa5: {  	[tilespmem:s10], [sflag:$0x1] =	stream.indirect.gather [hbm4b:s3+s8], $0x80, s8, s8, $0xb8;
	[tilespmem:$0x14280] =	vst v63  }
0xa6: {  	_ = 	snop  }
0xa7: {  	[tilespmem:s13], [sflag:$0x1] =	stream.indirect.gather [hbm4b:s3+s8], $0x80, s11, s8, $0xb8;
	[tilespmem:$0x14280] =	vst v63  }
0xa8: {  	_ = 	snop  }
0xa9: {  	[tilespmem:s15], [sflag:$0x1] =	stream.indirect.gather [hbm4b:s3+s8], $0x80, s14, s8, $0xb8;
	[tilespmem:$0x14280] =	vst v63  }
0xaa: {  	_ = 	snop  }
0xab: {  	[tilespmem:s17], [sflag:$0x1] =	stream.indirect.gather [hbm4b:s3+s8], $0x80, s16, s8, $0xb8;
	[tilespmem:$0x14280] =	vst v63  }
0xac: {  	_ =	swait.ge [sflag:s7], $0x4000  }
0xad: {  	[sflag:s7] =	ssyncset.done $0x0  }
0xae: {  	[sflag:s7] =	ssyncadd.s32 $0xFFFFC000  }
0xaf: {  	_ =	swait.ge [sflag:s7], $0x4000  }
0xb0: {  	[sflag:s7] =	ssyncset.done $0x0  }
0xb1: {  	[sflag:s7] =	ssyncadd.s32 $0xFFFFC000  }
0xb2: {  	_ =	swait.ge [sflag:s7], $0x4000  }
0xb3: {  	[sflag:s7] =	ssyncset.done $0x0  }
0xb4: {  	[sflag:s7] =	ssyncadd.s32 $0xFFFFC000  }
0xb5: {  	_ =	swait.ge [sflag:s7], $0x4000  }
0xb6: {  	[sflag:s7] =	ssyncset.done $0x0  }
0xb7: {  	[sflag:s7] =	ssyncadd.s32 $0xFFFFC000  }
0xb8: {  	_ =	swait.ge [sflag:s7], $0x4000  }
0xb9: {  	[sflag:s7] =	ssyncset.done $0x0  }
0xba: {  	[sflag:s7] =	ssyncadd.s32 $0xFFFFC000  }
0xbb: {  	[hbm4b:s30+s2] =	stream.linear.scatter [tilespmem:s6], [sflag:$0x2], $0x14000, $0x38;
	[tilespmem:$0x14280] =	vst v63  }
0xbc: {  	_ =	swait.ge [sflag:s4], $0x14000  }
0xbd: {  	[sflag:s4] =	ssyncset.done $0x0  }
0xbe: {  	[sflag:s4] =	ssyncadd.s32 $0xFFFEC000  }
0xbf: {  	[tilespmem:s2], [sflag:$0x2] =	stream.linear.gather [hbm4b:s28+s2], $0x280, $0x38;
	[tilespmem:$0x14280] =	vst v63  }
0xc0: {  	_ =	swait.ge [sflag:s4], $0x280  }
0xc1: {  	[sflag:s4] =	ssyncset.done $0x0  }
0xc2: {  	[sflag:s4] =	ssyncadd.s32 $0xFFFFFD80  }
0xc3: {  	[tilespmem:s6], [sflag:$0x1] =	stream.indirect.gather [hbm4b:s3+s8], $0x80, s2, s8, $0xb8;
	[tilespmem:$0x14280] =	vst v63  }
0xc4: {  	_ = 	snop  }
0xc5: {  	[tilespmem:s10], [sflag:$0x1] =	stream.indirect.gather [hbm4b:s3+s8], $0x80, s8, s8, $0xb8;
	[tilespmem:$0x14280] =	vst v63  }
0xc6: {  	_ = 	snop  }
0xc7: {  	[tilespmem:s13], [sflag:$0x1] =	stream.indirect.gather [hbm4b:s3+s8], $0x80, s11, s8, $0xb8;
	[tilespmem:$0x14280] =	vst v63  }
0xc8: {  	_ = 	snop  }
0xc9: {  	[tilespmem:s15], [sflag:$0x1] =	stream.indirect.gather [hbm4b:s3+s8], $0x80, s14, s8, $0xb8;
	[tilespmem:$0x14280] =	vst v63  }
0xca: {  	_ = 	snop  }
0xcb: {  	[tilespmem:s17], [sflag:$0x1] =	stream.indirect.gather [hbm4b:s3+s8], $0x80, s16, s8, $0xb8;
	[tilespmem:$0x14280] =	vst v63  }
0xcc: {  	_ =	swait.ge [sflag:s7], $0x4000  }
0xcd: {  	[sflag:s7] =	ssyncset.done $0x0  }
0xce: {  	[sflag:s7] =	ssyncadd.s32 $0xFFFFC000  }
0xcf: {  	_ =	swait.ge [sflag:s7], $0x4000  }
0xd0: {  	[sflag:s7] =	ssyncset.done $0x0  }
0xd1: {  	[sflag:s7] =	ssyncadd.s32 $0xFFFFC000  }
0xd2: {  	_ =	swait.ge [sflag:s7], $0x4000  }
0xd3: {  	[sflag:s7] =	ssyncset.done $0x0  }
0xd4: {  	[sflag:s7] =	ssyncadd.s32 $0xFFFFC000  }
0xd5: {  	_ =	swait.ge [sflag:s7], $0x4000  }
0xd6: {  	[sflag:s7] =	ssyncset.done $0x0  }
0xd7: {  	[sflag:s7] =	ssyncadd.s32 $0xFFFFC000  }
0xd8: {  	_ =	swait.ge [sflag:s7], $0x4000  }
0xd9: {  	[sflag:s7] =	ssyncset.done $0x0  }
0xda: {  	[sflag:s7] =	ssyncadd.s32 $0xFFFFC000  }
0xdb: {  	[hbm4b:s26+s2] =	stream.linear.scatter [tilespmem:s6], [sflag:$0x2], $0x14000, $0x38;
	[tilespmem:$0x14280] =	vst v63  }
0xdc: {  	_ =	swait.ge [sflag:s4], $0x14000  }
0xdd: {  	[sflag:s4] =	ssyncset.done $0x0  }
0xde: {  	[sflag:s4] =	ssyncadd.s32 $0xFFFEC000  }
0xdf: {  	[tilespmem:s2], [sflag:$0x2] =	stream.linear.gather [hbm4b:s25+s2], $0x280, $0x38;
	[tilespmem:$0x14280] =	vst v63  }
0xe0: {  	_ =	swait.ge [sflag:s4], $0x280  }
0xe1: {  	[sflag:s4] =	ssyncset.done $0x0  }
0xe2: {  	[sflag:s4] =	ssyncadd.s32 $0xFFFFFD80  }
0xe3: {  	[tilespmem:s6], [sflag:$0x1] =	stream.indirect.gather [hbm4b:s3+s8], $0x80, s2, s8, $0xb8;
	[tilespmem:$0x14280] =	vst v63  }
0xe4: {  	_ = 	snop  }
0xe5: {  	[tilespmem:s10], [sflag:$0x1] =	stream.indirect.gather [hbm4b:s3+s8], $0x80, s8, s8, $0xb8;
	[tilespmem:$0x14280] =	vst v63  }
0xe6: {  	_ = 	snop  }
0xe7: {  	[tilespmem:s13], [sflag:$0x1] =	stream.indirect.gather [hbm4b:s3+s8], $0x80, s11, s8, $0xb8;
	[tilespmem:$0x14280] =	vst v63  }
0xe8: {  	_ = 	snop  }
0xe9: {  	[tilespmem:s15], [sflag:$0x1] =	stream.indirect.gather [hbm4b:s3+s8], $0x80, s14, s8, $0xb8;
	[tilespmem:$0x14280] =	vst v63  }
0xea: {  	_ = 	snop  }
0xeb: {  	[tilespmem:s17], [sflag:$0x1] =	stream.indirect.gather [hbm4b:s3+s8], $0x80, s16, s8, $0xb8;
	[tilespmem:$0x14280] =	vst v63  }
0xec: {  	_ =	swait.ge [sflag:s7], $0x4000  }
0xed: {  	[sflag:s7] =	ssyncset.done $0x0  }
0xee: {  	[sflag:s7] =	ssyncadd.s32 $0xFFFFC000  }
0xef: {  	_ =	swait.ge [sflag:s7], $0x4000  }
0xf0: {  	[sflag:s7] =	ssyncset.done $0x0  }
0xf1: {  	[sflag:s7] =	ssyncadd.s32 $0xFFFFC000  }
0xf2: {  	_ =	swait.ge [sflag:s7], $0x4000  }
0xf3: {  	[sflag:s7] =	ssyncset.done $0x0  }
0xf4: {  	[sflag:s7] =	ssyncadd.s32 $0xFFFFC000  }
0xf5: {  	_ =	swait.ge [sflag:s7], $0x4000  }
0xf6: {  	[sflag:s7] =	ssyncset.done $0x0  }
0xf7: {  	[sflag:s7] =	ssyncadd.s32 $0xFFFFC000  }
0xf8: {  	_ =	swait.ge [sflag:s7], $0x4000  }
0xf9: {  	[sflag:s7] =	ssyncset.done $0x0  }
0xfa: {  	[sflag:s7] =	ssyncadd.s32 $0xFFFFC000  }
0xfb: {  	[hbm4b:s24+s2] =	stream.linear.scatter [tilespmem:s6], [sflag:$0x2], $0x14000, $0x38;
	[tilespmem:$0x14280] =	vst v63  }
0xfc: {  	_ =	swait.ge [sflag:s4], $0x14000  }
0xfd: {  	[sflag:s4] =	ssyncset.done $0x0  }
0xfe: {  	[sflag:s4] =	ssyncadd.s32 $0xFFFEC000  }
0xff: {  	[tilespmem:s2], [sflag:$0x2] =	stream.linear.gather [hbm4b:s23+s2], $0x280, $0x38;
	[tilespmem:$0x14280] =	vst v63  }
0x100: {  	_ =	swait.ge [sflag:s4], $0x280  }
0x101: {  	[sflag:s4] =	ssyncset.done $0x0  }
0x102: {  	[sflag:s4] =	ssyncadd.s32 $0xFFFFFD80  }
0x103: {  	[tilespmem:s6], [sflag:$0x1] =	stream.indirect.gather [hbm4b:s3+s8], $0x80, s2, s8, $0xb8;
	[tilespmem:$0x14280] =	vst v63  }
0x104: {  	_ = 	snop  }
0x105: {  	[tilespmem:s10], [sflag:$0x1] =	stream.indirect.gather [hbm4b:s3+s8], $0x80, s8, s8, $0xb8;
	[tilespmem:$0x14280] =	vst v63  }
0x106: {  	_ = 	snop  }
0x107: {  	[tilespmem:s13], [sflag:$0x1] =	stream.indirect.gather [hbm4b:s3+s8], $0x80, s11, s8, $0xb8;
	[tilespmem:$0x14280] =	vst v63  }
0x108: {  	_ = 	snop  }
0x109: {  	[tilespmem:s15], [sflag:$0x1] =	stream.indirect.gather [hbm4b:s3+s8], $0x80, s14, s8, $0xb8;
	[tilespmem:$0x14280] =	vst v63  }
0x10a: {  	_ = 	snop  }
0x10b: {  	[tilespmem:s17], [sflag:$0x1] =	stream.indirect.gather [hbm4b:s3+s8], $0x80, s16, s8, $0xb8;
	[tilespmem:$0x14280] =	vst v63  }
0x10c: {  	_ =	swait.ge [sflag:s7], $0x4000  }
0x10d: {  	[sflag:s7] =	ssyncset.done $0x0  }
0x10e: {  	[sflag:s7] =	ssyncadd.s32 $0xFFFFC000  }
0x10f: {  	_ =	swait.ge [sflag:s7], $0x4000  }
0x110: {  	[sflag:s7] =	ssyncset.done $0x0  }
0x111: {  	[sflag:s7] =	ssyncadd.s32 $0xFFFFC000  }
0x112: {  	_ =	swait.ge [sflag:s7], $0x4000  }
0x113: {  	[sflag:s7] =	ssyncset.done $0x0  }
0x114: {  	[sflag:s7] =	ssyncadd.s32 $0xFFFFC000  }
0x115: {  	_ =	swait.ge [sflag:s7], $0x4000  }
0x116: {  	[sflag:s7] =	ssyncset.done $0x0  }
0x117: {  	[sflag:s7] =	ssyncadd.s32 $0xFFFFC000  }
0x118: {  	_ =	swait.ge [sflag:s7], $0x4000  }
0x119: {  	[sflag:s7] =	ssyncset.done $0x0  }
0x11a: {  	[sflag:s7] =	ssyncadd.s32 $0xFFFFC000  }
0x11b: {  	[hbm4b:s22+s2] =	stream.linear.scatter [tilespmem:s6], [sflag:$0x2], $0x14000, $0x38;
	[tilespmem:$0x14280] =	vst v63  }
0x11c: {  	_ =	swait.ge [sflag:s4], $0x14000  }
0x11d: {  	[sflag:s4] =	ssyncset.done $0x0  }
0x11e: {  	s1 =	rddreg [dreg:$0x2];
	[sflag:s4] =	ssyncadd.s32 $0xFFFEC000  }
0x11f: {  	[tilespmem:s2], [sflag:$0x2] =	stream.linear.gather [hbm4b:s1+s2], $0x280, $0x38;
	[tilespmem:$0x14280] =	vst v63  }
0x120: {  	_ =	swait.ge [sflag:s4], $0x280  }
0x121: {  	[sflag:s4] =	ssyncset.done $0x0  }
0x122: {  	[sflag:s4] =	ssyncadd.s32 $0xFFFFFD80  }
0x123: {  	[tilespmem:s6], [sflag:$0x1] =	stream.indirect.gather [hbm4b:s3+s8], $0x80, s2, s8, $0xb8;
	[tilespmem:$0x14280] =	vst v63  }
0x124: {  	_ = 	snop  }
0x125: {  	[tilespmem:s10], [sflag:$0x1] =	stream.indirect.gather [hbm4b:s3+s8], $0x80, s8, s8, $0xb8;
	[tilespmem:$0x14280] =	vst v63  }
0x126: {  	_ = 	snop  }
0x127: {  	[tilespmem:s13], [sflag:$0x1] =	stream.indirect.gather [hbm4b:s3+s8], $0x80, s11, s8, $0xb8;
	[tilespmem:$0x14280] =	vst v63  }
0x128: {  	_ = 	snop  }
0x129: {  	[tilespmem:s15], [sflag:$0x1] =	stream.indirect.gather [hbm4b:s3+s8], $0x80, s14, s8, $0xb8;
	[tilespmem:$0x14280] =	vst v63  }
0x12a: {  	_ = 	snop  }
0x12b: {  	[tilespmem:s17], [sflag:$0x1] =	stream.indirect.gather [hbm4b:s3+s8], $0x80, s16, s8, $0xb8;
	[tilespmem:$0x14280] =	vst v63  }
0x12c: {  	_ =	swait.ge [sflag:s7], $0x4000  }
0x12d: {  	[sflag:s7] =	ssyncset.done $0x0  }
0x12e: {  	[sflag:s7] =	ssyncadd.s32 $0xFFFFC000  }
0x12f: {  	_ =	swait.ge [sflag:s7], $0x4000  }
0x130: {  	[sflag:s7] =	ssyncset.done $0x0  }
0x131: {  	[sflag:s7] =	ssyncadd.s32 $0xFFFFC000  }
0x132: {  	_ =	swait.ge [sflag:s7], $0x4000  }
0x133: {  	[sflag:s7] =	ssyncset.done $0x0  }
0x134: {  	[sflag:s7] =	ssyncadd.s32 $0xFFFFC000  }
0x135: {  	_ =	swait.ge [sflag:s7], $0x4000  }
0x136: {  	[sflag:s7] =	ssyncset.done $0x0  }
0x137: {  	[sflag:s7] =	ssyncadd.s32 $0xFFFFC000  }
0x138: {  	_ =	swait.ge [sflag:s7], $0x4000  }
0x139: {  	[sflag:s7] =	ssyncset.done $0x0  }
0x13a: {  	[sflag:s7] =	ssyncadd.s32 $0xFFFFC000  }
0x13b: {  	[hbm4b:s21+s2] =	stream.linear.scatter [tilespmem:s6], [sflag:$0x2], $0x14000, $0x38;
	[tilespmem:$0x14280] =	vst v63  }
0x13c: {  	_ =	swait.ge [sflag:s4], $0x14000  }
0x13d: {  	[sflag:s4] =	ssyncset.done $0x0  }
0x13e: {  	[sflag:s4] =	ssyncadd.s32 $0xFFFEC000  }
0x13f: {  	[tilespmem:s2], [sflag:$0x2] =	stream.linear.gather [hbm4b:s20+s2], $0x280, $0x38;
	[tilespmem:$0x14280] =	vst v63  }
0x140: {  	_ =	swait.ge [sflag:s4], $0x280  }
0x141: {  	[sflag:s4] =	ssyncset.done $0x0  }
0x142: {  	[sflag:s4] =	ssyncadd.s32 $0xFFFFFD80  }
0x143: {  	[tilespmem:s6], [sflag:$0x1] =	stream.indirect.gather [hbm4b:s3+s8], $0x80, s2, s8, $0xb8;
	[tilespmem:$0x14280] =	vst v63  }
0x144: {  	_ = 	snop  }
0x145: {  	[tilespmem:s10], [sflag:$0x1] =	stream.indirect.gather [hbm4b:s3+s8], $0x80, s8, s8, $0xb8;
	[tilespmem:$0x14280] =	vst v63  }
0x146: {  	_ = 	snop  }
0x147: {  	[tilespmem:s13], [sflag:$0x1] =	stream.indirect.gather [hbm4b:s3+s8], $0x80, s11, s8, $0xb8;
	[tilespmem:$0x14280] =	vst v63  }
0x148: {  	_ = 	snop  }
0x149: {  	[tilespmem:s15], [sflag:$0x1] =	stream.indirect.gather [hbm4b:s3+s8], $0x80, s14, s8, $0xb8;
	[tilespmem:$0x14280] =	vst v63  }
0x14a: {  	_ = 	snop  }
0x14b: {  	[tilespmem:s17], [sflag:$0x1] =	stream.indirect.gather [hbm4b:s3+s8], $0x80, s16, s8, $0xb8;
	[tilespmem:$0x14280] =	vst v63  }
0x14c: {  	_ =	swait.ge [sflag:s7], $0x4000  }
0x14d: {  	[sflag:s7] =	ssyncset.done $0x0  }
0x14e: {  	[sflag:s7] =	ssyncadd.s32 $0xFFFFC000  }
0x14f: {  	_ =	swait.ge [sflag:s7], $0x4000  }
0x150: {  	[sflag:s7] =	ssyncset.done $0x0  }
0x151: {  	[sflag:s7] =	ssyncadd.s32 $0xFFFFC000  }
0x152: {  	_ =	swait.ge [sflag:s7], $0x4000  }
0x153: {  	[sflag:s7] =	ssyncset.done $0x0  }
0x154: {  	[sflag:s7] =	ssyncadd.s32 $0xFFFFC000  }
0x155: {  	_ =	swait.ge [sflag:s7], $0x4000  }
0x156: {  	[sflag:s7] =	ssyncset.done $0x0  }
0x157: {  	[sflag:s7] =	ssyncadd.s32 $0xFFFFC000  }
0x158: {  	_ =	swait.ge [sflag:s7], $0x4000  }
0x159: {  	[sflag:s7] =	ssyncset.done $0x0  }
0x15a: {  	[sflag:s7] =	ssyncadd.s32 $0xFFFFC000  }
0x15b: {  	[hbm4b:s19+s2] =	stream.linear.scatter [tilespmem:s6], [sflag:$0x2], $0x14000, $0x38;
	[tilespmem:$0x14280] =	vst v63  }
0x15c: {  	_ =	swait.ge [sflag:s4], $0x14000  }
0x15d: {  	[sflag:s4] =	ssyncset.done $0x0  }
0x15e: {  	[sflag:s4] =	ssyncadd.s32 $0xFFFEC000  }
0x15f: {  	[tilespmem:s2], [sflag:$0x2] =	stream.linear.gather [hbm4b:s18+s2], $0x280, $0x38;
	[tilespmem:$0x14280] =	vst v63  }
0x160: {  	_ =	swait.ge [sflag:s4], $0x280  }
0x161: {  	[sflag:s4] =	ssyncset.done $0x0  }
0x162: {  	[sflag:s4] =	ssyncadd.s32 $0xFFFFFD80  }
0x163: {  	[tilespmem:s6], [sflag:$0x1] =	stream.indirect.gather [hbm4b:s3+s8], $0x80, s2, s8, $0xb8;
	[tilespmem:$0x14280] =	vst v63  }
0x164: {  	_ = 	snop  }
0x165: {  	[tilespmem:s10], [sflag:$0x1] =	stream.indirect.gather [hbm4b:s3+s8], $0x80, s8, s8, $0xb8;
	[tilespmem:$0x14280] =	vst v63  }
0x166: {  	_ = 	snop  }
0x167: {  	[tilespmem:s13], [sflag:$0x1] =	stream.indirect.gather [hbm4b:s3+s8], $0x80, s11, s8, $0xb8;
	[tilespmem:$0x14280] =	vst v63  }
0x168: {  	_ = 	snop  }
0x169: {  	[tilespmem:s15], [sflag:$0x1] =	stream.indirect.gather [hbm4b:s3+s8], $0x80, s14, s8, $0xb8;
	[tilespmem:$0x14280] =	vst v63  }
0x16a: {  	_ = 	snop  }
0x16b: {  	[tilespmem:s17], [sflag:$0x1] =	stream.indirect.gather [hbm4b:s3+s8], $0x80, s16, s8, $0xb8;
	[tilespmem:$0x14280] =	vst v63  }
0x16c: {  	_ =	swait.ge [sflag:s7], $0x4000  }
0x16d: {  	[sflag:s7] =	ssyncset.done $0x0  }
0x16e: {  	[sflag:s7] =	ssyncadd.s32 $0xFFFFC000  }
0x16f: {  	_ =	swait.ge [sflag:s7], $0x4000  }
0x170: {  	[sflag:s7] =	ssyncset.done $0x0  }
0x171: {  	[sflag:s7] =	ssyncadd.s32 $0xFFFFC000  }
0x172: {  	_ =	swait.ge [sflag:s7], $0x4000  }
0x173: {  	[sflag:s7] =	ssyncset.done $0x0  }
0x174: {  	[sflag:s7] =	ssyncadd.s32 $0xFFFFC000  }
0x175: {  	_ =	swait.ge [sflag:s7], $0x4000  }
0x176: {  	[sflag:s7] =	ssyncset.done $0x0  }
0x177: {  	[sflag:s7] =	ssyncadd.s32 $0xFFFFC000  }
0x178: {  	_ =	swait.ge [sflag:s7], $0x4000  }
0x179: {  	[sflag:s7] =	ssyncset.done $0x0  }
0x17a: {  	[sflag:s7] =	ssyncadd.s32 $0xFFFFC000  }
0x17b: {  	[hbm4b:s12+s2] =	stream.linear.scatter [tilespmem:s6], [sflag:$0x2], $0x14000, $0x38;
	[tilespmem:$0x14280] =	vst v63  }
0x17c: {  	_ =	swait.ge [sflag:s4], $0x14000  }
0x17d: {  	[sflag:s4] =	ssyncset.done $0x0  }
0x17e: {  	[sflag:s4] =	ssyncadd.s32 $0xFFFEC000  }
0x17f: {  	[tilespmem:s2], [sflag:$0x2] =	stream.linear.gather [hbm4b:s9+s2], $0x280, $0x38;
	[tilespmem:$0x14280] =	vst v63  }
0x180: {  	_ =	swait.ge [sflag:s4], $0x280  }
0x181: {  	[sflag:s4] =	ssyncset.done $0x0  }
0x182: {  	[sflag:s4] =	ssyncadd.s32 $0xFFFFFD80  }
0x183: {  	[tilespmem:s6], [sflag:$0x1] =	stream.indirect.gather [hbm4b:s3+s8], $0x80, s2, s8, $0xb8;
	[tilespmem:$0x14280] =	vst v63  }
0x184: {  	_ = 	snop  }
0x185: {  	[tilespmem:s10], [sflag:$0x1] =	stream.indirect.gather [hbm4b:s3+s8], $0x80, s8, s8, $0xb8;
	[tilespmem:$0x14280] =	vst v63  }
0x186: {  	_ = 	snop  }
0x187: {  	[tilespmem:s13], [sflag:$0x1] =	stream.indirect.gather [hbm4b:s3+s8], $0x80, s11, s8, $0xb8;
	[tilespmem:$0x14280] =	vst v63  }
0x188: {  	_ = 	snop  }
0x189: {  	[tilespmem:s15], [sflag:$0x1] =	stream.indirect.gather [hbm4b:s3+s8], $0x80, s14, s8, $0xb8;
	[tilespmem:$0x14280] =	vst v63  }
0x18a: {  	_ = 	snop  }
0x18b: {  	[tilespmem:s17], [sflag:$0x1] =	stream.indirect.gather [hbm4b:s3+s8], $0x80, s16, s8, $0xb8;
	[tilespmem:$0x14280] =	vst v63  }
0x18c: {  	_ =	swait.ge [sflag:s7], $0x4000  }
0x18d: {  	[sflag:s7] =	ssyncset.done $0x0  }
0x18e: {  	[sflag:s7] =	ssyncadd.s32 $0xFFFFC000  }
0x18f: {  	_ =	swait.ge [sflag:s7], $0x4000  }
0x190: {  	[sflag:s7] =	ssyncset.done $0x0  }
0x191: {  	[sflag:s7] =	ssyncadd.s32 $0xFFFFC000  }
0x192: {  	_ =	swait.ge [sflag:s7], $0x4000  }
0x193: {  	[sflag:s7] =	ssyncset.done $0x0  }
0x194: {  	[sflag:s7] =	ssyncadd.s32 $0xFFFFC000  }
0x195: {  	_ =	swait.ge [sflag:s7], $0x4000  }
0x196: {  	[sflag:s7] =	ssyncset.done $0x0  }
0x197: {  	[sflag:s7] =	ssyncadd.s32 $0xFFFFC000  }
0x198: {  	p1 =	sne.s32 s0, $0x1;
	_ =	swait.ge [sflag:s7], $0x4000  }
.Ltmp1:
0x199: {  	[sflag:s7] =	ssyncset.done $0x0;
	(pc) =	sbr.rel @!p1 .LBB2_3-.Ltmp1, $4  }
0x19a: {  	[sflag:s7] =	ssyncadd.s32 $0xFFFFC000  }
0x19b: {  	[hbm4b:s5+s2] =	stream.linear.scatter [tilespmem:s6], [sflag:$0x2], $0x14000, $0x38;
	[tilespmem:$0x14280] =	vst v63  }
0x19c: {  	s0 =	sadd.s32 $0xFFFFFFFF, s0;
	_ =	swait.ge [sflag:s4], $0x14000  }
0x19d: {  	p0 =	por $0x1, $0x1;
	s1 =	rddreg [dreg:$0x3];
	[sflag:s4] =	ssyncset.done $0x0  }
.LBB2_2:
0x19e: {  	[sflag:s4] =	ssyncadd.s32 $0xFFFEC000  }
0x19f: {  	[tilespmem:s2], [sflag:$0x2] =	stream.linear.gather [hbm4b:s1+s2], $0x280, $0x38;
	[tilespmem:$0x14280] =	vst v63  }
0x1a0: {  	_ =	swait.ge [sflag:s4], $0x280  }
0x1a1: {  	[sflag:s4] =	ssyncset.done $0x0  }
0x1a2: {  	[sflag:s4] =	ssyncadd.s32 $0xFFFFFD80  }
0x1a3: {  	[tilespmem:s6], [sflag:$0x1] =	stream.indirect.gather [hbm4b:s29+s8], $0x80, s2, s8, $0xb8;
	[tilespmem:$0x14280] =	vst v63  }
0x1a4: {  	_ = 	snop  }
0x1a5: {  	[tilespmem:s10], [sflag:$0x1] =	stream.indirect.gather [hbm4b:s29+s8], $0x80, s8, s8, $0xb8;
	[tilespmem:$0x14280] =	vst v63  }
0x1a6: {  	_ = 	snop  }
0x1a7: {  	[tilespmem:s13], [sflag:$0x1] =	stream.indirect.gather [hbm4b:s29+s8], $0x80, s11, s8, $0xb8;
	[tilespmem:$0x14280] =	vst v63  }
0x1a8: {  	_ = 	snop  }
0x1a9: {  	[tilespmem:s15], [sflag:$0x1] =	stream.indirect.gather [hbm4b:s29+s8], $0x80, s14, s8, $0xb8;
	[tilespmem:$0x14280] =	vst v63  }
0x1aa: {  	_ = 	snop  }
0x1ab: {  	[tilespmem:s17], [sflag:$0x1] =	stream.indirect.gather [hbm4b:s29+s8], $0x80, s16, s8, $0xb8;
	[tilespmem:$0x14280] =	vst v63  }
0x1ac: {  	_ =	swait.ge [sflag:s7], $0x4000  }
0x1ad: {  	[sflag:s7] =	ssyncset.done $0x0  }
0x1ae: {  	[sflag:s7] =	ssyncadd.s32 $0xFFFFC000  }
0x1af: {  	_ =	swait.ge [sflag:s7], $0x4000  }
0x1b0: {  	[sflag:s7] =	ssyncset.done $0x0  }
0x1b1: {  	[sflag:s7] =	ssyncadd.s32 $0xFFFFC000  }
0x1b2: {  	_ =	swait.ge [sflag:s7], $0x4000  }
0x1b3: {  	[sflag:s7] =	ssyncset.done $0x0  }
0x1b4: {  	[sflag:s7] =	ssyncadd.s32 $0xFFFFC000  }
0x1b5: {  	_ =	swait.ge [sflag:s7], $0x4000  }
0x1b6: {  	[sflag:s7] =	ssyncset.done $0x0  }
0x1b7: {  	[sflag:s7] =	ssyncadd.s32 $0xFFFFC000  }
0x1b8: {  	_ =	swait.ge [sflag:s7], $0x4000  }
0x1b9: {  	[sflag:s7] =	ssyncset.done $0x0  }
0x1ba: {  	s1 =	rddreg [dreg:$0x4];
	[sflag:s7] =	ssyncadd.s32 $0xFFFFC000  }
0x1bb: {  	[hbm4b:s1+s2] =	stream.linear.scatter [tilespmem:s6], [sflag:$0x2], $0x14000, $0x38;
	[tilespmem:$0x14280] =	vst v63  }
0x1bc: {  	_ =	swait.ge [sflag:s4], $0x14000  }
0x1bd: {  	[sflag:s4] =	ssyncset.done $0x0  }
0x1be: {  	s1 =	rddreg [dreg:$0x5];
	[sflag:s4] =	ssyncadd.s32 $0xFFFEC000  }
0x1bf: {  	[tilespmem:s2], [sflag:$0x2] =	stream.linear.gather [hbm4b:s1+s2], $0x280, $0x38;
	[tilespmem:$0x14280] =	vst v63  }
0x1c0: {  	_ =	swait.ge [sflag:s4], $0x280  }
0x1c1: {  	[sflag:s4] =	ssyncset.done $0x0  }
0x1c2: {  	[sflag:s4] =	ssyncadd.s32 $0xFFFFFD80  }
0x1c3: {  	[tilespmem:s6], [sflag:$0x1] =	stream.indirect.gather [hbm4b:s29+s8], $0x80, s2, s8, $0xb8;
	[tilespmem:$0x14280] =	vst v63  }
0x1c4: {  	_ = 	snop  }
0x1c5: {  	[tilespmem:s10], [sflag:$0x1] =	stream.indirect.gather [hbm4b:s29+s8], $0x80, s8, s8, $0xb8;
	[tilespmem:$0x14280] =	vst v63  }
0x1c6: {  	_ = 	snop  }
0x1c7: {  	[tilespmem:s13], [sflag:$0x1] =	stream.indirect.gather [hbm4b:s29+s8], $0x80, s11, s8, $0xb8;
	[tilespmem:$0x14280] =	vst v63  }
0x1c8: {  	_ = 	snop  }
0x1c9: {  	[tilespmem:s15], [sflag:$0x1] =	stream.indirect.gather [hbm4b:s29+s8], $0x80, s14, s8, $0xb8;
	[tilespmem:$0x14280] =	vst v63  }
0x1ca: {  	_ = 	snop  }
0x1cb: {  	[tilespmem:s17], [sflag:$0x1] =	stream.indirect.gather [hbm4b:s29+s8], $0x80, s16, s8, $0xb8;
	[tilespmem:$0x14280] =	vst v63  }
0x1cc: {  	_ =	swait.ge [sflag:s7], $0x4000  }
0x1cd: {  	[sflag:s7] =	ssyncset.done $0x0  }
0x1ce: {  	[sflag:s7] =	ssyncadd.s32 $0xFFFFC000  }
0x1cf: {  	_ =	swait.ge [sflag:s7], $0x4000  }
0x1d0: {  	[sflag:s7] =	ssyncset.done $0x0  }
0x1d1: {  	[sflag:s7] =	ssyncadd.s32 $0xFFFFC000  }
0x1d2: {  	_ =	swait.ge [sflag:s7], $0x4000  }
0x1d3: {  	[sflag:s7] =	ssyncset.done $0x0  }
0x1d4: {  	[sflag:s7] =	ssyncadd.s32 $0xFFFFC000  }
0x1d5: {  	_ =	swait.ge [sflag:s7], $0x4000  }
0x1d6: {  	[sflag:s7] =	ssyncset.done $0x0  }
0x1d7: {  	[sflag:s7] =	ssyncadd.s32 $0xFFFFC000  }
0x1d8: {  	_ =	swait.ge [sflag:s7], $0x4000  }
0x1d9: {  	[sflag:s7] =	ssyncset.done $0x0  }
0x1da: {  	s1 =	rddreg [dreg:$0x6];
	[sflag:s7] =	ssyncadd.s32 $0xFFFFC000  }
0x1db: {  	[hbm4b:s1+s2] =	stream.linear.scatter [tilespmem:s6], [sflag:$0x2], $0x14000, $0x38;
	[tilespmem:$0x14280] =	vst v63  }
0x1dc: {  	_ =	swait.ge [sflag:s4], $0x14000  }
0x1dd: {  	[sflag:s4] =	ssyncset.done $0x0  }
0x1de: {  	s1 =	rddreg [dreg:$0x7];
	[sflag:s4] =	ssyncadd.s32 $0xFFFEC000  }
0x1df: {  	[tilespmem:s2], [sflag:$0x2] =	stream.linear.gather [hbm4b:s1+s2], $0x280, $0x38;
	[tilespmem:$0x14280] =	vst v63  }
0x1e0: {  	_ =	swait.ge [sflag:s4], $0x280  }
0x1e1: {  	[sflag:s4] =	ssyncset.done $0x0  }
0x1e2: {  	[sflag:s4] =	ssyncadd.s32 $0xFFFFFD80  }
0x1e3: {  	[tilespmem:s6], [sflag:$0x1] =	stream.indirect.gather [hbm4b:s29+s8], $0x80, s2, s8, $0xb8;
	[tilespmem:$0x14280] =	vst v63  }
0x1e4: {  	_ = 	snop  }
0x1e5: {  	[tilespmem:s10], [sflag:$0x1] =	stream.indirect.gather [hbm4b:s29+s8], $0x80, s8, s8, $0xb8;
	[tilespmem:$0x14280] =	vst v63  }
0x1e6: {  	_ = 	snop  }
0x1e7: {  	[tilespmem:s13], [sflag:$0x1] =	stream.indirect.gather [hbm4b:s29+s8], $0x80, s11, s8, $0xb8;
	[tilespmem:$0x14280] =	vst v63  }
0x1e8: {  	_ = 	snop  }
0x1e9: {  	[tilespmem:s15], [sflag:$0x1] =	stream.indirect.gather [hbm4b:s29+s8], $0x80, s14, s8, $0xb8;
	[tilespmem:$0x14280] =	vst v63  }
0x1ea: {  	_ = 	snop  }
0x1eb: {  	[tilespmem:s17], [sflag:$0x1] =	stream.indirect.gather [hbm4b:s29+s8], $0x80, s16, s8, $0xb8;
	[tilespmem:$0x14280] =	vst v63  }
0x1ec: {  	_ =	swait.ge [sflag:s7], $0x4000  }
0x1ed: {  	[sflag:s7] =	ssyncset.done $0x0  }
0x1ee: {  	[sflag:s7] =	ssyncadd.s32 $0xFFFFC000  }
0x1ef: {  	_ =	swait.ge [sflag:s7], $0x4000  }
0x1f0: {  	[sflag:s7] =	ssyncset.done $0x0  }
0x1f1: {  	[sflag:s7] =	ssyncadd.s32 $0xFFFFC000  }
0x1f2: {  	_ =	swait.ge [sflag:s7], $0x4000  }
0x1f3: {  	[sflag:s7] =	ssyncset.done $0x0  }
0x1f4: {  	[sflag:s7] =	ssyncadd.s32 $0xFFFFC000  }
0x1f5: {  	_ =	swait.ge [sflag:s7], $0x4000  }
0x1f6: {  	[sflag:s7] =	ssyncset.done $0x0  }
0x1f7: {  	[sflag:s7] =	ssyncadd.s32 $0xFFFFC000  }
0x1f8: {  	_ =	swait.ge [sflag:s7], $0x4000  }
0x1f9: {  	[sflag:s7] =	ssyncset.done $0x0  }
0x1fa: {  	s1 =	rddreg [dreg:$0x8];
	[sflag:s7] =	ssyncadd.s32 $0xFFFFC000  }
0x1fb: {  	[hbm4b:s1+s2] =	stream.linear.scatter [tilespmem:s6], [sflag:$0x2], $0x14000, $0x38;
	[tilespmem:$0x14280] =	vst v63  }
0x1fc: {  	_ =	swait.ge [sflag:s4], $0x14000  }
0x1fd: {  	[sflag:s4] =	ssyncset.done $0x0  }
0x1fe: {  	s1 =	rddreg [dreg:$0x9];
	[sflag:s4] =	ssyncadd.s32 $0xFFFEC000  }
0x1ff: {  	[tilespmem:s2], [sflag:$0x2] =	stream.linear.gather [hbm4b:s1+s2], $0x280, $0x38;
	[tilespmem:$0x14280] =	vst v63  }
0x200: {  	_ =	swait.ge [sflag:s4], $0x280  }
0x201: {  	[sflag:s4] =	ssyncset.done $0x0  }
0x202: {  	[sflag:s4] =	ssyncadd.s32 $0xFFFFFD80  }
0x203: {  	[tilespmem:s6], [sflag:$0x1] =	stream.indirect.gather [hbm4b:s29+s8], $0x80, s2, s8, $0xb8;
	[tilespmem:$0x14280] =	vst v63  }
0x204: {  	_ = 	snop  }
0x205: {  	[tilespmem:s10], [sflag:$0x1] =	stream.indirect.gather [hbm4b:s29+s8], $0x80, s8, s8, $0xb8;
	[tilespmem:$0x14280] =	vst v63  }
0x206: {  	_ = 	snop  }
0x207: {  	[tilespmem:s13], [sflag:$0x1] =	stream.indirect.gather [hbm4b:s29+s8], $0x80, s11, s8, $0xb8;
	[tilespmem:$0x14280] =	vst v63  }
0x208: {  	_ = 	snop  }
0x209: {  	[tilespmem:s15], [sflag:$0x1] =	stream.indirect.gather [hbm4b:s29+s8], $0x80, s14, s8, $0xb8;
	[tilespmem:$0x14280] =	vst v63  }
0x20a: {  	_ = 	snop  }
0x20b: {  	[tilespmem:s17], [sflag:$0x1] =	stream.indirect.gather [hbm4b:s29+s8], $0x80, s16, s8, $0xb8;
	[tilespmem:$0x14280] =	vst v63  }
0x20c: {  	_ =	swait.ge [sflag:s7], $0x4000  }
0x20d: {  	[sflag:s7] =	ssyncset.done $0x0  }
0x20e: {  	[sflag:s7] =	ssyncadd.s32 $0xFFFFC000  }
0x20f: {  	_ =	swait.ge [sflag:s7], $0x4000  }
0x210: {  	[sflag:s7] =	ssyncset.done $0x0  }
0x211: {  	[sflag:s7] =	ssyncadd.s32 $0xFFFFC000  }
0x212: {  	_ =	swait.ge [sflag:s7], $0x4000  }
0x213: {  	[sflag:s7] =	ssyncset.done $0x0  }
0x214: {  	[sflag:s7] =	ssyncadd.s32 $0xFFFFC000  }
0x215: {  	_ =	swait.ge [sflag:s7], $0x4000  }
0x216: {  	[sflag:s7] =	ssyncset.done $0x0  }
0x217: {  	[sflag:s7] =	ssyncadd.s32 $0xFFFFC000  }
0x218: {  	_ =	swait.ge [sflag:s7], $0x4000  }
0x219: {  	[sflag:s7] =	ssyncset.done $0x0  }
0x21a: {  	s1 =	rddreg [dreg:$0xa];
	[sflag:s7] =	ssyncadd.s32 $0xFFFFC000  }
0x21b: {  	[hbm4b:s1+s2] =	stream.linear.scatter [tilespmem:s6], [sflag:$0x2], $0x14000, $0x38;
	[tilespmem:$0x14280] =	vst v63  }
0x21c: {  	_ =	swait.ge [sflag:s4], $0x14000  }
0x21d: {  	[sflag:s4] =	ssyncset.done $0x0  }
0x21e: {  	[sflag:s4] =	ssyncadd.s32 $0xFFFEC000  }
0x21f: {  	[tilespmem:s2], [sflag:$0x2] =	stream.linear.gather [hbm4b:s31+s2], $0x280, $0x38;
	[tilespmem:$0x14280] =	vst v63  }
0x220: {  	_ =	swait.ge [sflag:s4], $0x280  }
0x221: {  	[sflag:s4] =	ssyncset.done $0x0  }
0x222: {  	[sflag:s4] =	ssyncadd.s32 $0xFFFFFD80  }
0x223: {  	[tilespmem:s6], [sflag:$0x1] =	stream.indirect.gather [hbm4b:s3+s8], $0x80, s2, s8, $0xb8;
	[tilespmem:$0x14280] =	vst v63  }
0x224: {  	_ = 	snop  }
0x225: {  	[tilespmem:s10], [sflag:$0x1] =	stream.indirect.gather [hbm4b:s3+s8], $0x80, s8, s8, $0xb8;
	[tilespmem:$0x14280] =	vst v63  }
0x226: {  	_ = 	snop  }
0x227: {  	[tilespmem:s13], [sflag:$0x1] =	stream.indirect.gather [hbm4b:s3+s8], $0x80, s11, s8, $0xb8;
	[tilespmem:$0x14280] =	vst v63  }
0x228: {  	_ = 	snop  }
0x229: {  	[tilespmem:s15], [sflag:$0x1] =	stream.indirect.gather [hbm4b:s3+s8], $0x80, s14, s8, $0xb8;
	[tilespmem:$0x14280] =	vst v63  }
0x22a: {  	_ = 	snop  }
0x22b: {  	[tilespmem:s17], [sflag:$0x1] =	stream.indirect.gather [hbm4b:s3+s8], $0x80, s16, s8, $0xb8;
	[tilespmem:$0x14280] =	vst v63  }
0x22c: {  	_ =	swait.ge [sflag:s7], $0x4000  }
0x22d: {  	[sflag:s7] =	ssyncset.done $0x0  }
0x22e: {  	[sflag:s7] =	ssyncadd.s32 $0xFFFFC000  }
0x22f: {  	_ =	swait.ge [sflag:s7], $0x4000  }
0x230: {  	[sflag:s7] =	ssyncset.done $0x0  }
0x231: {  	[sflag:s7] =	ssyncadd.s32 $0xFFFFC000  }
0x232: {  	_ =	swait.ge [sflag:s7], $0x4000  }
0x233: {  	[sflag:s7] =	ssyncset.done $0x0  }
0x234: {  	[sflag:s7] =	ssyncadd.s32 $0xFFFFC000  }
0x235: {  	_ =	swait.ge [sflag:s7], $0x4000  }
0x236: {  	[sflag:s7] =	ssyncset.done $0x0  }
0x237: {  	[sflag:s7] =	ssyncadd.s32 $0xFFFFC000  }
0x238: {  	_ =	swait.ge [sflag:s7], $0x4000  }
0x239: {  	[sflag:s7] =	ssyncset.done $0x0  }
0x23a: {  	[sflag:s7] =	ssyncadd.s32 $0xFFFFC000  }
0x23b: {  	[hbm4b:s30+s2] =	stream.linear.scatter [tilespmem:s6], [sflag:$0x2], $0x14000, $0x38;
	[tilespmem:$0x14280] =	vst v63  }
0x23c: {  	_ =	swait.ge [sflag:s4], $0x14000  }
0x23d: {  	[sflag:s4] =	ssyncset.done $0x0  }
0x23e: {  	[sflag:s4] =	ssyncadd.s32 $0xFFFEC000  }
0x23f: {  	[tilespmem:s2], [sflag:$0x2] =	stream.linear.gather [hbm4b:s28+s2], $0x280, $0x38;
	[tilespmem:$0x14280] =	vst v63  }
0x240: {  	_ =	swait.ge [sflag:s4], $0x280  }
0x241: {  	[sflag:s4] =	ssyncset.done $0x0  }
0x242: {  	[sflag:s4] =	ssyncadd.s32 $0xFFFFFD80  }
0x243: {  	[tilespmem:s6], [sflag:$0x1] =	stream.indirect.gather [hbm4b:s3+s8], $0x80, s2, s8, $0xb8;
	[tilespmem:$0x14280] =	vst v63  }
0x244: {  	_ = 	snop  }
0x245: {  	[tilespmem:s10], [sflag:$0x1] =	stream.indirect.gather [hbm4b:s3+s8], $0x80, s8, s8, $0xb8;
	[tilespmem:$0x14280] =	vst v63  }
0x246: {  	_ = 	snop  }
0x247: {  	[tilespmem:s13], [sflag:$0x1] =	stream.indirect.gather [hbm4b:s3+s8], $0x80, s11, s8, $0xb8;
	[tilespmem:$0x14280] =	vst v63  }
0x248: {  	_ = 	snop  }
0x249: {  	[tilespmem:s15], [sflag:$0x1] =	stream.indirect.gather [hbm4b:s3+s8], $0x80, s14, s8, $0xb8;
	[tilespmem:$0x14280] =	vst v63  }
0x24a: {  	_ = 	snop  }
0x24b: {  	[tilespmem:s17], [sflag:$0x1] =	stream.indirect.gather [hbm4b:s3+s8], $0x80, s16, s8, $0xb8;
	[tilespmem:$0x14280] =	vst v63  }
0x24c: {  	_ =	swait.ge [sflag:s7], $0x4000  }
0x24d: {  	[sflag:s7] =	ssyncset.done $0x0  }
0x24e: {  	[sflag:s7] =	ssyncadd.s32 $0xFFFFC000  }
0x24f: {  	_ =	swait.ge [sflag:s7], $0x4000  }
0x250: {  	[sflag:s7] =	ssyncset.done $0x0  }
0x251: {  	[sflag:s7] =	ssyncadd.s32 $0xFFFFC000  }
0x252: {  	_ =	swait.ge [sflag:s7], $0x4000  }
0x253: {  	[sflag:s7] =	ssyncset.done $0x0  }
0x254: {  	[sflag:s7] =	ssyncadd.s32 $0xFFFFC000  }
0x255: {  	_ =	swait.ge [sflag:s7], $0x4000  }
0x256: {  	[sflag:s7] =	ssyncset.done $0x0  }
0x257: {  	[sflag:s7] =	ssyncadd.s32 $0xFFFFC000  }
0x258: {  	_ =	swait.ge [sflag:s7], $0x4000  }
0x259: {  	[sflag:s7] =	ssyncset.done $0x0  }
0x25a: {  	[sflag:s7] =	ssyncadd.s32 $0xFFFFC000  }
0x25b: {  	[hbm4b:s26+s2] =	stream.linear.scatter [tilespmem:s6], [sflag:$0x2], $0x14000, $0x38;
	[tilespmem:$0x14280] =	vst v63  }
0x25c: {  	_ =	swait.ge [sflag:s4], $0x14000  }
0x25d: {  	[sflag:s4] =	ssyncset.done $0x0  }
0x25e: {  	[sflag:s4] =	ssyncadd.s32 $0xFFFEC000  }
0x25f: {  	[tilespmem:s2], [sflag:$0x2] =	stream.linear.gather [hbm4b:s25+s2], $0x280, $0x38;
	[tilespmem:$0x14280] =	vst v63  }
0x260: {  	_ =	swait.ge [sflag:s4], $0x280  }
0x261: {  	[sflag:s4] =	ssyncset.done $0x0  }
0x262: {  	[sflag:s4] =	ssyncadd.s32 $0xFFFFFD80  }
0x263: {  	[tilespmem:s6], [sflag:$0x1] =	stream.indirect.gather [hbm4b:s3+s8], $0x80, s2, s8, $0xb8;
	[tilespmem:$0x14280] =	vst v63  }
0x264: {  	_ = 	snop  }
0x265: {  	[tilespmem:s10], [sflag:$0x1] =	stream.indirect.gather [hbm4b:s3+s8], $0x80, s8, s8, $0xb8;
	[tilespmem:$0x14280] =	vst v63  }
0x266: {  	_ = 	snop  }
0x267: {  	[tilespmem:s13], [sflag:$0x1] =	stream.indirect.gather [hbm4b:s3+s8], $0x80, s11, s8, $0xb8;
	[tilespmem:$0x14280] =	vst v63  }
0x268: {  	_ = 	snop  }
0x269: {  	[tilespmem:s15], [sflag:$0x1] =	stream.indirect.gather [hbm4b:s3+s8], $0x80, s14, s8, $0xb8;
	[tilespmem:$0x14280] =	vst v63  }
0x26a: {  	_ = 	snop  }
0x26b: {  	[tilespmem:s17], [sflag:$0x1] =	stream.indirect.gather [hbm4b:s3+s8], $0x80, s16, s8, $0xb8;
	[tilespmem:$0x14280] =	vst v63  }
0x26c: {  	_ =	swait.ge [sflag:s7], $0x4000  }
0x26d: {  	[sflag:s7] =	ssyncset.done $0x0  }
0x26e: {  	[sflag:s7] =	ssyncadd.s32 $0xFFFFC000  }
0x26f: {  	_ =	swait.ge [sflag:s7], $0x4000  }
0x270: {  	[sflag:s7] =	ssyncset.done $0x0  }
0x271: {  	[sflag:s7] =	ssyncadd.s32 $0xFFFFC000  }
0x272: {  	_ =	swait.ge [sflag:s7], $0x4000  }
0x273: {  	[sflag:s7] =	ssyncset.done $0x0  }
0x274: {  	[sflag:s7] =	ssyncadd.s32 $0xFFFFC000  }
0x275: {  	_ =	swait.ge [sflag:s7], $0x4000  }
0x276: {  	[sflag:s7] =	ssyncset.done $0x0  }
0x277: {  	[sflag:s7] =	ssyncadd.s32 $0xFFFFC000  }
0x278: {  	_ =	swait.ge [sflag:s7], $0x4000  }
0x279: {  	[sflag:s7] =	ssyncset.done $0x0  }
0x27a: {  	[sflag:s7] =	ssyncadd.s32 $0xFFFFC000  }
0x27b: {  	[hbm4b:s24+s2] =	stream.linear.scatter [tilespmem:s6], [sflag:$0x2], $0x14000, $0x38;
	[tilespmem:$0x14280] =	vst v63  }
0x27c: {  	_ =	swait.ge [sflag:s4], $0x14000  }
0x27d: {  	[sflag:s4] =	ssyncset.done $0x0  }
0x27e: {  	[sflag:s4] =	ssyncadd.s32 $0xFFFEC000  }
0x27f: {  	[tilespmem:s2], [sflag:$0x2] =	stream.linear.gather [hbm4b:s23+s2], $0x280, $0x38;
	[tilespmem:$0x14280] =	vst v63  }
0x280: {  	_ =	swait.ge [sflag:s4], $0x280  }
0x281: {  	[sflag:s4] =	ssyncset.done $0x0  }
0x282: {  	[sflag:s4] =	ssyncadd.s32 $0xFFFFFD80  }
0x283: {  	[tilespmem:s6], [sflag:$0x1] =	stream.indirect.gather [hbm4b:s3+s8], $0x80, s2, s8, $0xb8;
	[tilespmem:$0x14280] =	vst v63  }
0x284: {  	_ = 	snop  }
0x285: {  	[tilespmem:s10], [sflag:$0x1] =	stream.indirect.gather [hbm4b:s3+s8], $0x80, s8, s8, $0xb8;
	[tilespmem:$0x14280] =	vst v63  }
0x286: {  	_ = 	snop  }
0x287: {  	[tilespmem:s13], [sflag:$0x1] =	stream.indirect.gather [hbm4b:s3+s8], $0x80, s11, s8, $0xb8;
	[tilespmem:$0x14280] =	vst v63  }
0x288: {  	_ = 	snop  }
0x289: {  	[tilespmem:s15], [sflag:$0x1] =	stream.indirect.gather [hbm4b:s3+s8], $0x80, s14, s8, $0xb8;
	[tilespmem:$0x14280] =	vst v63  }
0x28a: {  	_ = 	snop  }
0x28b: {  	[tilespmem:s17], [sflag:$0x1] =	stream.indirect.gather [hbm4b:s3+s8], $0x80, s16, s8, $0xb8;
	[tilespmem:$0x14280] =	vst v63  }
0x28c: {  	_ =	swait.ge [sflag:s7], $0x4000  }
0x28d: {  	[sflag:s7] =	ssyncset.done $0x0  }
0x28e: {  	[sflag:s7] =	ssyncadd.s32 $0xFFFFC000  }
0x28f: {  	_ =	swait.ge [sflag:s7], $0x4000  }
0x290: {  	[sflag:s7] =	ssyncset.done $0x0  }
0x291: {  	[sflag:s7] =	ssyncadd.s32 $0xFFFFC000  }
0x292: {  	_ =	swait.ge [sflag:s7], $0x4000  }
0x293: {  	[sflag:s7] =	ssyncset.done $0x0  }
0x294: {  	[sflag:s7] =	ssyncadd.s32 $0xFFFFC000  }
0x295: {  	_ =	swait.ge [sflag:s7], $0x4000  }
0x296: {  	[sflag:s7] =	ssyncset.done $0x0  }
0x297: {  	[sflag:s7] =	ssyncadd.s32 $0xFFFFC000  }
0x298: {  	_ =	swait.ge [sflag:s7], $0x4000  }
0x299: {  	[sflag:s7] =	ssyncset.done $0x0  }
0x29a: {  	[sflag:s7] =	ssyncadd.s32 $0xFFFFC000  }
0x29b: {  	[hbm4b:s22+s2] =	stream.linear.scatter [tilespmem:s6], [sflag:$0x2], $0x14000, $0x38;
	[tilespmem:$0x14280] =	vst v63  }
0x29c: {  	_ =	swait.ge [sflag:s4], $0x14000  }
0x29d: {  	[sflag:s4] =	ssyncset.done $0x0  }
0x29e: {  	s1 =	rddreg [dreg:$0x2];
	[sflag:s4] =	ssyncadd.s32 $0xFFFEC000  }
0x29f: {  	[tilespmem:s2], [sflag:$0x2] =	stream.linear.gather [hbm4b:s1+s2], $0x280, $0x38;
	[tilespmem:$0x14280] =	vst v63  }
0x2a0: {  	_ =	swait.ge [sflag:s4], $0x280  }
0x2a1: {  	[sflag:s4] =	ssyncset.done $0x0  }
0x2a2: {  	[sflag:s4] =	ssyncadd.s32 $0xFFFFFD80  }
0x2a3: {  	[tilespmem:s6], [sflag:$0x1] =	stream.indirect.gather [hbm4b:s3+s8], $0x80, s2, s8, $0xb8;
	[tilespmem:$0x14280] =	vst v63  }
0x2a4: {  	_ = 	snop  }
0x2a5: {  	[tilespmem:s10], [sflag:$0x1] =	stream.indirect.gather [hbm4b:s3+s8], $0x80, s8, s8, $0xb8;
	[tilespmem:$0x14280] =	vst v63  }
0x2a6: {  	_ = 	snop  }
0x2a7: {  	[tilespmem:s13], [sflag:$0x1] =	stream.indirect.gather [hbm4b:s3+s8], $0x80, s11, s8, $0xb8;
	[tilespmem:$0x14280] =	vst v63  }
0x2a8: {  	_ = 	snop  }
0x2a9: {  	[tilespmem:s15], [sflag:$0x1] =	stream.indirect.gather [hbm4b:s3+s8], $0x80, s14, s8, $0xb8;
	[tilespmem:$0x14280] =	vst v63  }
0x2aa: {  	_ = 	snop  }
0x2ab: {  	[tilespmem:s17], [sflag:$0x1] =	stream.indirect.gather [hbm4b:s3+s8], $0x80, s16, s8, $0xb8;
	[tilespmem:$0x14280] =	vst v63  }
0x2ac: {  	_ =	swait.ge [sflag:s7], $0x4000  }
0x2ad: {  	[sflag:s7] =	ssyncset.done $0x0  }
0x2ae: {  	[sflag:s7] =	ssyncadd.s32 $0xFFFFC000  }
0x2af: {  	_ =	swait.ge [sflag:s7], $0x4000  }
0x2b0: {  	[sflag:s7] =	ssyncset.done $0x0  }
0x2b1: {  	[sflag:s7] =	ssyncadd.s32 $0xFFFFC000  }
0x2b2: {  	_ =	swait.ge [sflag:s7], $0x4000  }
0x2b3: {  	[sflag:s7] =	ssyncset.done $0x0  }
0x2b4: {  	[sflag:s7] =	ssyncadd.s32 $0xFFFFC000  }
0x2b5: {  	_ =	swait.ge [sflag:s7], $0x4000  }
0x2b6: {  	[sflag:s7] =	ssyncset.done $0x0  }
0x2b7: {  	[sflag:s7] =	ssyncadd.s32 $0xFFFFC000  }
0x2b8: {  	_ =	swait.ge [sflag:s7], $0x4000  }
0x2b9: {  	[sflag:s7] =	ssyncset.done $0x0  }
0x2ba: {  	[sflag:s7] =	ssyncadd.s32 $0xFFFFC000  }
0x2bb: {  	[hbm4b:s21+s2] =	stream.linear.scatter [tilespmem:s6], [sflag:$0x2], $0x14000, $0x38;
	[tilespmem:$0x14280] =	vst v63  }
0x2bc: {  	_ =	swait.ge [sflag:s4], $0x14000  }
0x2bd: {  	[sflag:s4] =	ssyncset.done $0x0  }
0x2be: {  	[sflag:s4] =	ssyncadd.s32 $0xFFFEC000  }
0x2bf: {  	[tilespmem:s2], [sflag:$0x2] =	stream.linear.gather [hbm4b:s20+s2], $0x280, $0x38;
	[tilespmem:$0x14280] =	vst v63  }
0x2c0: {  	_ =	swait.ge [sflag:s4], $0x280  }
0x2c1: {  	[sflag:s4] =	ssyncset.done $0x0  }
0x2c2: {  	[sflag:s4] =	ssyncadd.s32 $0xFFFFFD80  }
0x2c3: {  	[tilespmem:s6], [sflag:$0x1] =	stream.indirect.gather [hbm4b:s3+s8], $0x80, s2, s8, $0xb8;
	[tilespmem:$0x14280] =	vst v63  }
0x2c4: {  	_ = 	snop  }
0x2c5: {  	[tilespmem:s10], [sflag:$0x1] =	stream.indirect.gather [hbm4b:s3+s8], $0x80, s8, s8, $0xb8;
	[tilespmem:$0x14280] =	vst v63  }
0x2c6: {  	_ = 	snop  }
0x2c7: {  	[tilespmem:s13], [sflag:$0x1] =	stream.indirect.gather [hbm4b:s3+s8], $0x80, s11, s8, $0xb8;
	[tilespmem:$0x14280] =	vst v63  }
0x2c8: {  	_ = 	snop  }
0x2c9: {  	[tilespmem:s15], [sflag:$0x1] =	stream.indirect.gather [hbm4b:s3+s8], $0x80, s14, s8, $0xb8;
	[tilespmem:$0x14280] =	vst v63  }
0x2ca: {  	_ = 	snop  }
0x2cb: {  	[tilespmem:s17], [sflag:$0x1] =	stream.indirect.gather [hbm4b:s3+s8], $0x80, s16, s8, $0xb8;
	[tilespmem:$0x14280] =	vst v63  }
0x2cc: {  	_ =	swait.ge [sflag:s7], $0x4000  }
0x2cd: {  	[sflag:s7] =	ssyncset.done $0x0  }
0x2ce: {  	[sflag:s7] =	ssyncadd.s32 $0xFFFFC000  }
0x2cf: {  	_ =	swait.ge [sflag:s7], $0x4000  }
0x2d0: {  	[sflag:s7] =	ssyncset.done $0x0  }
0x2d1: {  	[sflag:s7] =	ssyncadd.s32 $0xFFFFC000  }
0x2d2: {  	_ =	swait.ge [sflag:s7], $0x4000  }
0x2d3: {  	[sflag:s7] =	ssyncset.done $0x0  }
0x2d4: {  	[sflag:s7] =	ssyncadd.s32 $0xFFFFC000  }
0x2d5: {  	_ =	swait.ge [sflag:s7], $0x4000  }
0x2d6: {  	[sflag:s7] =	ssyncset.done $0x0  }
0x2d7: {  	[sflag:s7] =	ssyncadd.s32 $0xFFFFC000  }
0x2d8: {  	_ =	swait.ge [sflag:s7], $0x4000  }
0x2d9: {  	[sflag:s7] =	ssyncset.done $0x0  }
0x2da: {  	[sflag:s7] =	ssyncadd.s32 $0xFFFFC000  }
0x2db: {  	[hbm4b:s19+s2] =	stream.linear.scatter [tilespmem:s6], [sflag:$0x2], $0x14000, $0x38;
	[tilespmem:$0x14280] =	vst v63  }
0x2dc: {  	_ =	swait.ge [sflag:s4], $0x14000  }
0x2dd: {  	[sflag:s4] =	ssyncset.done $0x0  }
0x2de: {  	[sflag:s4] =	ssyncadd.s32 $0xFFFEC000  }
0x2df: {  	[tilespmem:s2], [sflag:$0x2] =	stream.linear.gather [hbm4b:s18+s2], $0x280, $0x38;
	[tilespmem:$0x14280] =	vst v63  }
0x2e0: {  	_ =	swait.ge [sflag:s4], $0x280  }
0x2e1: {  	[sflag:s4] =	ssyncset.done $0x0  }
0x2e2: {  	[sflag:s4] =	ssyncadd.s32 $0xFFFFFD80  }
0x2e3: {  	[tilespmem:s6], [sflag:$0x1] =	stream.indirect.gather [hbm4b:s3+s8], $0x80, s2, s8, $0xb8;
	[tilespmem:$0x14280] =	vst v63  }
0x2e4: {  	_ = 	snop  }
0x2e5: {  	[tilespmem:s10], [sflag:$0x1] =	stream.indirect.gather [hbm4b:s3+s8], $0x80, s8, s8, $0xb8;
	[tilespmem:$0x14280] =	vst v63  }
0x2e6: {  	_ = 	snop  }
0x2e7: {  	[tilespmem:s13], [sflag:$0x1] =	stream.indirect.gather [hbm4b:s3+s8], $0x80, s11, s8, $0xb8;
	[tilespmem:$0x14280] =	vst v63  }
0x2e8: {  	_ = 	snop  }
0x2e9: {  	[tilespmem:s15], [sflag:$0x1] =	stream.indirect.gather [hbm4b:s3+s8], $0x80, s14, s8, $0xb8;
	[tilespmem:$0x14280] =	vst v63  }
0x2ea: {  	_ = 	snop  }
0x2eb: {  	[tilespmem:s17], [sflag:$0x1] =	stream.indirect.gather [hbm4b:s3+s8], $0x80, s16, s8, $0xb8;
	[tilespmem:$0x14280] =	vst v63  }
0x2ec: {  	_ =	swait.ge [sflag:s7], $0x4000  }
0x2ed: {  	[sflag:s7] =	ssyncset.done $0x0  }
0x2ee: {  	[sflag:s7] =	ssyncadd.s32 $0xFFFFC000  }
0x2ef: {  	_ =	swait.ge [sflag:s7], $0x4000  }
0x2f0: {  	[sflag:s7] =	ssyncset.done $0x0  }
0x2f1: {  	[sflag:s7] =	ssyncadd.s32 $0xFFFFC000  }
0x2f2: {  	_ =	swait.ge [sflag:s7], $0x4000  }
0x2f3: {  	[sflag:s7] =	ssyncset.done $0x0  }
0x2f4: {  	[sflag:s7] =	ssyncadd.s32 $0xFFFFC000  }
0x2f5: {  	_ =	swait.ge [sflag:s7], $0x4000  }
0x2f6: {  	[sflag:s7] =	ssyncset.done $0x0  }
0x2f7: {  	[sflag:s7] =	ssyncadd.s32 $0xFFFFC000  }
0x2f8: {  	_ =	swait.ge [sflag:s7], $0x4000  }
0x2f9: {  	[sflag:s7] =	ssyncset.done $0x0  }
0x2fa: {  	[sflag:s7] =	ssyncadd.s32 $0xFFFFC000  }
0x2fb: {  	[hbm4b:s12+s2] =	stream.linear.scatter [tilespmem:s6], [sflag:$0x2], $0x14000, $0x38;
	[tilespmem:$0x14280] =	vst v63  }
0x2fc: {  	_ =	swait.ge [sflag:s4], $0x14000  }
0x2fd: {  	[sflag:s4] =	ssyncset.done $0x0  }
0x2fe: {  	[sflag:s4] =	ssyncadd.s32 $0xFFFEC000  }
0x2ff: {  	[tilespmem:s2], [sflag:$0x2] =	stream.linear.gather [hbm4b:s9+s2], $0x280, $0x38;
	[tilespmem:$0x14280] =	vst v63  }
0x300: {  	_ =	swait.ge [sflag:s4], $0x280  }
0x301: {  	[sflag:s4] =	ssyncset.done $0x0  }
0x302: {  	[sflag:s4] =	ssyncadd.s32 $0xFFFFFD80  }
0x303: {  	[tilespmem:s6], [sflag:$0x1] =	stream.indirect.gather [hbm4b:s3+s8], $0x80, s2, s8, $0xb8;
	[tilespmem:$0x14280] =	vst v63  }
0x304: {  	_ = 	snop  }
0x305: {  	[tilespmem:s10], [sflag:$0x1] =	stream.indirect.gather [hbm4b:s3+s8], $0x80, s8, s8, $0xb8;
	[tilespmem:$0x14280] =	vst v63  }
0x306: {  	_ = 	snop  }
0x307: {  	[tilespmem:s13], [sflag:$0x1] =	stream.indirect.gather [hbm4b:s3+s8], $0x80, s11, s8, $0xb8;
	[tilespmem:$0x14280] =	vst v63  }
0x308: {  	_ = 	snop  }
0x309: {  	[tilespmem:s15], [sflag:$0x1] =	stream.indirect.gather [hbm4b:s3+s8], $0x80, s14, s8, $0xb8;
	[tilespmem:$0x14280] =	vst v63  }
0x30a: {  	_ = 	snop  }
0x30b: {  	[tilespmem:s17], [sflag:$0x1] =	stream.indirect.gather [hbm4b:s3+s8], $0x80, s16, s8, $0xb8;
	[tilespmem:$0x14280] =	vst v63  }
0x30c: {  	_ =	swait.ge [sflag:s7], $0x4000  }
0x30d: {  	[sflag:s7] =	ssyncset.done $0x0  }
0x30e: {  	[sflag:s7] =	ssyncadd.s32 $0xFFFFC000  }
0x30f: {  	_ =	swait.ge [sflag:s7], $0x4000  }
0x310: {  	[sflag:s7] =	ssyncset.done $0x0  }
0x311: {  	[sflag:s7] =	ssyncadd.s32 $0xFFFFC000  }
0x312: {  	_ =	swait.ge [sflag:s7], $0x4000  }
0x313: {  	[sflag:s7] =	ssyncset.done $0x0  }
0x314: {  	[sflag:s7] =	ssyncadd.s32 $0xFFFFC000  }
0x315: {  	_ =	swait.ge [sflag:s7], $0x4000  }
0x316: {  	[sflag:s7] =	ssyncset.done $0x0  }
0x317: {  	[sflag:s7] =	ssyncadd.s32 $0xFFFFC000  }
0x318: {  	p1 =	sne.s32 s0, $0x1;
	_ =	swait.ge [sflag:s7], $0x4000  }
.Ltmp2:
0x319: {  	[sflag:s7] =	ssyncset.done $0x0;
	(pc) =	sbr.rel @p1 .LBB2_2-.Ltmp2, $4  }
0x31a: {  	[sflag:s7] =	ssyncadd.s32 $0xFFFFC000  }
0x31b: {  	[hbm4b:s5+s2] =	stream.linear.scatter [tilespmem:s6], [sflag:$0x2], $0x14000, $0x38;
	[tilespmem:$0x14280] =	vst v63  }
0x31c: {  	_ =	swait.ge [sflag:s4], $0x14000  }
0x31d: {  	s0 =	sadd.s32 $0xFFFFFFFF, s0;
	s1 =	rddreg [dreg:$0x3];
	[sflag:s4] =	ssyncset.done $0x0  }
.LBB2_3:
0x31e: {  	[sflag:s4] =	ssyncadd.s32 @p0 $0xFFFEC000  }
0x31f: {  	[tilespmem:s2], [sflag:$0x2] =	stream.linear.gather [hbm4b:s1+s2], $0x280, $0x38;
	[tilespmem:$0x14280] =	vst v63  }
0x320: {  	_ =	swait.ge [sflag:s4], $0x280  }
0x321: {  	[sflag:s4] =	ssyncset.done $0x0  }
0x322: {  	[sflag:s4] =	ssyncadd.s32 $0xFFFFFD80  }
0x323: {  	[tilespmem:s6], [sflag:$0x1] =	stream.indirect.gather [hbm4b:s29+s8], $0x80, s2, s8, $0xb8;
	[tilespmem:$0x14280] =	vst v63  }
0x324: {  	_ = 	snop  }
0x325: {  	[tilespmem:s10], [sflag:$0x1] =	stream.indirect.gather [hbm4b:s29+s8], $0x80, s8, s8, $0xb8;
	[tilespmem:$0x14280] =	vst v63  }
0x326: {  	_ = 	snop  }
0x327: {  	[tilespmem:s13], [sflag:$0x1] =	stream.indirect.gather [hbm4b:s29+s8], $0x80, s11, s8, $0xb8;
	[tilespmem:$0x14280] =	vst v63  }
0x328: {  	_ = 	snop  }
0x329: {  	[tilespmem:s15], [sflag:$0x1] =	stream.indirect.gather [hbm4b:s29+s8], $0x80, s14, s8, $0xb8;
	[tilespmem:$0x14280] =	vst v63  }
0x32a: {  	_ = 	snop  }
0x32b: {  	[tilespmem:s17], [sflag:$0x1] =	stream.indirect.gather [hbm4b:s29+s8], $0x80, s16, s8, $0xb8;
	[tilespmem:$0x14280] =	vst v63  }
0x32c: {  	_ =	swait.ge [sflag:s7], $0x4000  }
0x32d: {  	[sflag:s7] =	ssyncset.done $0x0  }
0x32e: {  	[sflag:s7] =	ssyncadd.s32 $0xFFFFC000  }
0x32f: {  	_ =	swait.ge [sflag:s7], $0x4000  }
0x330: {  	[sflag:s7] =	ssyncset.done $0x0  }
0x331: {  	[sflag:s7] =	ssyncadd.s32 $0xFFFFC000  }
0x332: {  	_ =	swait.ge [sflag:s7], $0x4000  }
0x333: {  	[sflag:s7] =	ssyncset.done $0x0  }
0x334: {  	[sflag:s7] =	ssyncadd.s32 $0xFFFFC000  }
0x335: {  	_ =	swait.ge [sflag:s7], $0x4000  }
0x336: {  	[sflag:s7] =	ssyncset.done $0x0  }
0x337: {  	[sflag:s7] =	ssyncadd.s32 $0xFFFFC000  }
0x338: {  	_ =	swait.ge [sflag:s7], $0x4000  }
0x339: {  	[sflag:s7] =	ssyncset.done $0x0  }
0x33a: {  	s0 =	rddreg [dreg:$0x4];
	[sflag:s7] =	ssyncadd.s32 $0xFFFFC000  }
0x33b: {  	[hbm4b:s0+s2] =	stream.linear.scatter [tilespmem:s6], [sflag:$0x2], $0x14000, $0x38;
	[tilespmem:$0x14280] =	vst v63  }
0x33c: {  	_ =	swait.ge [sflag:s4], $0x14000  }
0x33d: {  	[sflag:s4] =	ssyncset.done $0x0  }
0x33e: {  	s1 =	rddreg [dreg:$0x5];
	[sflag:s4] =	ssyncadd.s32 $0xFFFEC000  }
0x33f: {  	[tilespmem:s2], [sflag:$0x2] =	stream.linear.gather [hbm4b:s1+s2], $0x280, $0x38;
	[tilespmem:$0x14280] =	vst v63  }
0x340: {  	_ =	swait.ge [sflag:s4], $0x280  }
0x341: {  	[sflag:s4] =	ssyncset.done $0x0  }
0x342: {  	[sflag:s4] =	ssyncadd.s32 $0xFFFFFD80  }
0x343: {  	[tilespmem:s6], [sflag:$0x1] =	stream.indirect.gather [hbm4b:s29+s8], $0x80, s2, s8, $0xb8;
	[tilespmem:$0x14280] =	vst v63  }
0x344: {  	_ = 	snop  }
0x345: {  	[tilespmem:s10], [sflag:$0x1] =	stream.indirect.gather [hbm4b:s29+s8], $0x80, s8, s8, $0xb8;
	[tilespmem:$0x14280] =	vst v63  }
0x346: {  	_ = 	snop  }
0x347: {  	[tilespmem:s13], [sflag:$0x1] =	stream.indirect.gather [hbm4b:s29+s8], $0x80, s11, s8, $0xb8;
	[tilespmem:$0x14280] =	vst v63  }
0x348: {  	_ = 	snop  }
0x349: {  	[tilespmem:s15], [sflag:$0x1] =	stream.indirect.gather [hbm4b:s29+s8], $0x80, s14, s8, $0xb8;
	[tilespmem:$0x14280] =	vst v63  }
0x34a: {  	_ = 	snop  }
0x34b: {  	[tilespmem:s17], [sflag:$0x1] =	stream.indirect.gather [hbm4b:s29+s8], $0x80, s16, s8, $0xb8;
	[tilespmem:$0x14280] =	vst v63  }
0x34c: {  	_ =	swait.ge [sflag:s7], $0x4000  }
0x34d: {  	[sflag:s7] =	ssyncset.done $0x0  }
0x34e: {  	[sflag:s7] =	ssyncadd.s32 $0xFFFFC000  }
0x34f: {  	_ =	swait.ge [sflag:s7], $0x4000  }
0x350: {  	[sflag:s7] =	ssyncset.done $0x0  }
0x351: {  	[sflag:s7] =	ssyncadd.s32 $0xFFFFC000  }
0x352: {  	_ =	swait.ge [sflag:s7], $0x4000  }
0x353: {  	[sflag:s7] =	ssyncset.done $0x0  }
0x354: {  	[sflag:s7] =	ssyncadd.s32 $0xFFFFC000  }
0x355: {  	_ =	swait.ge [sflag:s7], $0x4000  }
0x356: {  	[sflag:s7] =	ssyncset.done $0x0  }
0x357: {  	[sflag:s7] =	ssyncadd.s32 $0xFFFFC000  }
0x358: {  	_ =	swait.ge [sflag:s7], $0x4000  }
0x359: {  	[sflag:s7] =	ssyncset.done $0x0  }
0x35a: {  	s1 =	rddreg [dreg:$0x6];
	[sflag:s7] =	ssyncadd.s32 $0xFFFFC000  }
0x35b: {  	[hbm4b:s1+s2] =	stream.linear.scatter [tilespmem:s6], [sflag:$0x2], $0x14000, $0x38;
	[tilespmem:$0x14280] =	vst v63  }
0x35c: {  	_ =	swait.ge [sflag:s4], $0x14000  }
0x35d: {  	[sflag:s4] =	ssyncset.done $0x0  }
0x35e: {  	s1 =	rddreg [dreg:$0x7];
	[sflag:s4] =	ssyncadd.s32 $0xFFFEC000  }
0x35f: {  	[tilespmem:s2], [sflag:$0x2] =	stream.linear.gather [hbm4b:s1+s2], $0x280, $0x38;
	[tilespmem:$0x14280] =	vst v63  }
0x360: {  	_ =	swait.ge [sflag:s4], $0x280  }
0x361: {  	[sflag:s4] =	ssyncset.done $0x0  }
0x362: {  	[sflag:s4] =	ssyncadd.s32 $0xFFFFFD80  }
0x363: {  	[tilespmem:s6], [sflag:$0x1] =	stream.indirect.gather [hbm4b:s29+s8], $0x80, s2, s8, $0xb8;
	[tilespmem:$0x14280] =	vst v63  }
0x364: {  	_ = 	snop  }
0x365: {  	[tilespmem:s10], [sflag:$0x1] =	stream.indirect.gather [hbm4b:s29+s8], $0x80, s8, s8, $0xb8;
	[tilespmem:$0x14280] =	vst v63  }
0x366: {  	_ = 	snop  }
0x367: {  	[tilespmem:s13], [sflag:$0x1] =	stream.indirect.gather [hbm4b:s29+s8], $0x80, s11, s8, $0xb8;
	[tilespmem:$0x14280] =	vst v63  }
0x368: {  	_ = 	snop  }
0x369: {  	[tilespmem:s15], [sflag:$0x1] =	stream.indirect.gather [hbm4b:s29+s8], $0x80, s14, s8, $0xb8;
	[tilespmem:$0x14280] =	vst v63  }
0x36a: {  	_ = 	snop  }
0x36b: {  	[tilespmem:s17], [sflag:$0x1] =	stream.indirect.gather [hbm4b:s29+s8], $0x80, s16, s8, $0xb8;
	[tilespmem:$0x14280] =	vst v63  }
0x36c: {  	_ =	swait.ge [sflag:s7], $0x4000  }
0x36d: {  	[sflag:s7] =	ssyncset.done $0x0  }
0x36e: {  	[sflag:s7] =	ssyncadd.s32 $0xFFFFC000  }
0x36f: {  	_ =	swait.ge [sflag:s7], $0x4000  }
0x370: {  	[sflag:s7] =	ssyncset.done $0x0  }
0x371: {  	[sflag:s7] =	ssyncadd.s32 $0xFFFFC000  }
0x372: {  	_ =	swait.ge [sflag:s7], $0x4000  }
0x373: {  	[sflag:s7] =	ssyncset.done $0x0  }
0x374: {  	[sflag:s7] =	ssyncadd.s32 $0xFFFFC000  }
0x375: {  	_ =	swait.ge [sflag:s7], $0x4000  }
0x376: {  	[sflag:s7] =	ssyncset.done $0x0  }
0x377: {  	[sflag:s7] =	ssyncadd.s32 $0xFFFFC000  }
0x378: {  	_ =	swait.ge [sflag:s7], $0x4000  }
0x379: {  	[sflag:s7] =	ssyncset.done $0x0  }
0x37a: {  	s1 =	rddreg [dreg:$0x8];
	[sflag:s7] =	ssyncadd.s32 $0xFFFFC000  }
0x37b: {  	[hbm4b:s1+s2] =	stream.linear.scatter [tilespmem:s6], [sflag:$0x2], $0x14000, $0x38;
	[tilespmem:$0x14280] =	vst v63  }
0x37c: {  	_ =	swait.ge [sflag:s4], $0x14000  }
0x37d: {  	[sflag:s4] =	ssyncset.done $0x0  }
0x37e: {  	s1 =	rddreg [dreg:$0x9];
	[sflag:s4] =	ssyncadd.s32 $0xFFFEC000  }
0x37f: {  	[tilespmem:s2], [sflag:$0x2] =	stream.linear.gather [hbm4b:s1+s2], $0x280, $0x38;
	[tilespmem:$0x14280] =	vst v63  }
0x380: {  	_ =	swait.ge [sflag:s4], $0x280  }
0x381: {  	[sflag:s4] =	ssyncset.done $0x0  }
0x382: {  	[sflag:s4] =	ssyncadd.s32 $0xFFFFFD80  }
0x383: {  	[tilespmem:s6], [sflag:$0x1] =	stream.indirect.gather [hbm4b:s29+s8], $0x80, s2, s8, $0xb8;
	[tilespmem:$0x14280] =	vst v63  }
0x384: {  	_ = 	snop  }
0x385: {  	[tilespmem:s10], [sflag:$0x1] =	stream.indirect.gather [hbm4b:s29+s8], $0x80, s8, s8, $0xb8;
	[tilespmem:$0x14280] =	vst v63  }
0x386: {  	_ = 	snop  }
0x387: {  	[tilespmem:s13], [sflag:$0x1] =	stream.indirect.gather [hbm4b:s29+s8], $0x80, s11, s8, $0xb8;
	[tilespmem:$0x14280] =	vst v63  }
0x388: {  	_ = 	snop  }
0x389: {  	[tilespmem:s15], [sflag:$0x1] =	stream.indirect.gather [hbm4b:s29+s8], $0x80, s14, s8, $0xb8;
	[tilespmem:$0x14280] =	vst v63  }
0x38a: {  	_ = 	snop  }
0x38b: {  	[tilespmem:s17], [sflag:$0x1] =	stream.indirect.gather [hbm4b:s29+s8], $0x80, s16, s8, $0xb8;
	[tilespmem:$0x14280] =	vst v63  }
0x38c: {  	_ =	swait.ge [sflag:s7], $0x4000  }
0x38d: {  	[sflag:s7] =	ssyncset.done $0x0  }
0x38e: {  	[sflag:s7] =	ssyncadd.s32 $0xFFFFC000  }
0x38f: {  	_ =	swait.ge [sflag:s7], $0x4000  }
0x390: {  	[sflag:s7] =	ssyncset.done $0x0  }
0x391: {  	[sflag:s7] =	ssyncadd.s32 $0xFFFFC000  }
0x392: {  	_ =	swait.ge [sflag:s7], $0x4000  }
0x393: {  	[sflag:s7] =	ssyncset.done $0x0  }
0x394: {  	[sflag:s7] =	ssyncadd.s32 $0xFFFFC000  }
0x395: {  	_ =	swait.ge [sflag:s7], $0x4000  }
0x396: {  	[sflag:s7] =	ssyncset.done $0x0  }
0x397: {  	[sflag:s7] =	ssyncadd.s32 $0xFFFFC000  }
0x398: {  	_ =	swait.ge [sflag:s7], $0x4000  }
0x399: {  	[sflag:s7] =	ssyncset.done $0x0  }
0x39a: {  	s29 =	rddreg [dreg:$0xa];
	[sflag:s7] =	ssyncadd.s32 $0xFFFFC000  }
0x39b: {  	[hbm4b:s29+s2] =	stream.linear.scatter [tilespmem:s6], [sflag:$0x2], $0x14000, $0x38;
	[tilespmem:$0x14280] =	vst v63  }
0x39c: {  	_ =	swait.ge [sflag:s4], $0x14000  }
0x39d: {  	[sflag:s4] =	ssyncset.done $0x0  }
0x39e: {  	[sflag:s4] =	ssyncadd.s32 $0xFFFEC000  }
0x39f: {  	[tilespmem:s2], [sflag:$0x2] =	stream.linear.gather [hbm4b:s31+s2], $0x280, $0x38;
	[tilespmem:$0x14280] =	vst v63  }
0x3a0: {  	_ =	swait.ge [sflag:s4], $0x280  }
0x3a1: {  	[sflag:s4] =	ssyncset.done $0x0  }
0x3a2: {  	[sflag:s4] =	ssyncadd.s32 $0xFFFFFD80  }
0x3a3: {  	[tilespmem:s6], [sflag:$0x1] =	stream.indirect.gather [hbm4b:s3+s8], $0x80, s2, s8, $0xb8;
	[tilespmem:$0x14280] =	vst v63  }
0x3a4: {  	_ = 	snop  }
0x3a5: {  	[tilespmem:s10], [sflag:$0x1] =	stream.indirect.gather [hbm4b:s3+s8], $0x80, s8, s8, $0xb8;
	[tilespmem:$0x14280] =	vst v63  }
0x3a6: {  	_ = 	snop  }
0x3a7: {  	[tilespmem:s13], [sflag:$0x1] =	stream.indirect.gather [hbm4b:s3+s8], $0x80, s11, s8, $0xb8;
	[tilespmem:$0x14280] =	vst v63  }
0x3a8: {  	_ = 	snop  }
0x3a9: {  	[tilespmem:s15], [sflag:$0x1] =	stream.indirect.gather [hbm4b:s3+s8], $0x80, s14, s8, $0xb8;
	[tilespmem:$0x14280] =	vst v63  }
0x3aa: {  	_ = 	snop  }
0x3ab: {  	[tilespmem:s17], [sflag:$0x1] =	stream.indirect.gather [hbm4b:s3+s8], $0x80, s16, s8, $0xb8;
	[tilespmem:$0x14280] =	vst v63  }
0x3ac: {  	_ =	swait.ge [sflag:s7], $0x4000  }
0x3ad: {  	[sflag:s7] =	ssyncset.done $0x0  }
0x3ae: {  	[sflag:s7] =	ssyncadd.s32 $0xFFFFC000  }
0x3af: {  	_ =	swait.ge [sflag:s7], $0x4000  }
0x3b0: {  	[sflag:s7] =	ssyncset.done $0x0  }
0x3b1: {  	[sflag:s7] =	ssyncadd.s32 $0xFFFFC000  }
0x3b2: {  	_ =	swait.ge [sflag:s7], $0x4000  }
0x3b3: {  	[sflag:s7] =	ssyncset.done $0x0  }
0x3b4: {  	[sflag:s7] =	ssyncadd.s32 $0xFFFFC000  }
0x3b5: {  	_ =	swait.ge [sflag:s7], $0x4000  }
0x3b6: {  	[sflag:s7] =	ssyncset.done $0x0  }
0x3b7: {  	[sflag:s7] =	ssyncadd.s32 $0xFFFFC000  }
0x3b8: {  	_ =	swait.ge [sflag:s7], $0x4000  }
0x3b9: {  	[sflag:s7] =	ssyncset.done $0x0  }
0x3ba: {  	[sflag:s7] =	ssyncadd.s32 $0xFFFFC000  }
0x3bb: {  	[hbm4b:s30+s2] =	stream.linear.scatter [tilespmem:s6], [sflag:$0x2], $0x14000, $0x38;
	[tilespmem:$0x14280] =	vst v63  }
0x3bc: {  	_ =	swait.ge [sflag:s4], $0x14000  }
0x3bd: {  	[sflag:s4] =	ssyncset.done $0x0  }
0x3be: {  	[sflag:s4] =	ssyncadd.s32 $0xFFFEC000  }
0x3bf: {  	[tilespmem:s2], [sflag:$0x2] =	stream.linear.gather [hbm4b:s28+s2], $0x280, $0x38;
	[tilespmem:$0x14280] =	vst v63  }
0x3c0: {  	_ =	swait.ge [sflag:s4], $0x280  }
0x3c1: {  	[sflag:s4] =	ssyncset.done $0x0  }
0x3c2: {  	[sflag:s4] =	ssyncadd.s32 $0xFFFFFD80  }
0x3c3: {  	[tilespmem:s6], [sflag:$0x1] =	stream.indirect.gather [hbm4b:s3+s8], $0x80, s2, s8, $0xb8;
	[tilespmem:$0x14280] =	vst v63  }
0x3c4: {  	_ = 	snop  }
0x3c5: {  	[tilespmem:s10], [sflag:$0x1] =	stream.indirect.gather [hbm4b:s3+s8], $0x80, s8, s8, $0xb8;
	[tilespmem:$0x14280] =	vst v63  }
0x3c6: {  	_ = 	snop  }
0x3c7: {  	[tilespmem:s13], [sflag:$0x1] =	stream.indirect.gather [hbm4b:s3+s8], $0x80, s11, s8, $0xb8;
	[tilespmem:$0x14280] =	vst v63  }
0x3c8: {  	_ = 	snop  }
0x3c9: {  	[tilespmem:s15], [sflag:$0x1] =	stream.indirect.gather [hbm4b:s3+s8], $0x80, s14, s8, $0xb8;
	[tilespmem:$0x14280] =	vst v63  }
0x3ca: {  	_ = 	snop  }
0x3cb: {  	[tilespmem:s17], [sflag:$0x1] =	stream.indirect.gather [hbm4b:s3+s8], $0x80, s16, s8, $0xb8;
	[tilespmem:$0x14280] =	vst v63  }
0x3cc: {  	_ =	swait.ge [sflag:s7], $0x4000  }
0x3cd: {  	[sflag:s7] =	ssyncset.done $0x0  }
0x3ce: {  	[sflag:s7] =	ssyncadd.s32 $0xFFFFC000  }
0x3cf: {  	_ =	swait.ge [sflag:s7], $0x4000  }
0x3d0: {  	[sflag:s7] =	ssyncset.done $0x0  }
0x3d1: {  	[sflag:s7] =	ssyncadd.s32 $0xFFFFC000  }
0x3d2: {  	_ =	swait.ge [sflag:s7], $0x4000  }
0x3d3: {  	[sflag:s7] =	ssyncset.done $0x0  }
0x3d4: {  	[sflag:s7] =	ssyncadd.s32 $0xFFFFC000  }
0x3d5: {  	_ =	swait.ge [sflag:s7], $0x4000  }
0x3d6: {  	[sflag:s7] =	ssyncset.done $0x0  }
0x3d7: {  	[sflag:s7] =	ssyncadd.s32 $0xFFFFC000  }
0x3d8: {  	_ =	swait.ge [sflag:s7], $0x4000  }
0x3d9: {  	[sflag:s7] =	ssyncset.done $0x0  }
0x3da: {  	[sflag:s7] =	ssyncadd.s32 $0xFFFFC000  }
0x3db: {  	[hbm4b:s26+s2] =	stream.linear.scatter [tilespmem:s6], [sflag:$0x2], $0x14000, $0x38;
	[tilespmem:$0x14280] =	vst v63  }
0x3dc: {  	_ =	swait.ge [sflag:s4], $0x14000  }
0x3dd: {  	[sflag:s4] =	ssyncset.done $0x0  }
0x3de: {  	[sflag:s4] =	ssyncadd.s32 $0xFFFEC000  }
0x3df: {  	[tilespmem:s2], [sflag:$0x2] =	stream.linear.gather [hbm4b:s25+s2], $0x280, $0x38;
	[tilespmem:$0x14280] =	vst v63  }
0x3e0: {  	_ =	swait.ge [sflag:s4], $0x280  }
0x3e1: {  	[sflag:s4] =	ssyncset.done $0x0  }
0x3e2: {  	[sflag:s4] =	ssyncadd.s32 $0xFFFFFD80  }
0x3e3: {  	[tilespmem:s6], [sflag:$0x1] =	stream.indirect.gather [hbm4b:s3+s8], $0x80, s2, s8, $0xb8;
	[tilespmem:$0x14280] =	vst v63  }
0x3e4: {  	_ = 	snop  }
0x3e5: {  	[tilespmem:s10], [sflag:$0x1] =	stream.indirect.gather [hbm4b:s3+s8], $0x80, s8, s8, $0xb8;
	[tilespmem:$0x14280] =	vst v63  }
0x3e6: {  	_ = 	snop  }
0x3e7: {  	[tilespmem:s13], [sflag:$0x1] =	stream.indirect.gather [hbm4b:s3+s8], $0x80, s11, s8, $0xb8;
	[tilespmem:$0x14280] =	vst v63  }
0x3e8: {  	_ = 	snop  }
0x3e9: {  	[tilespmem:s15], [sflag:$0x1] =	stream.indirect.gather [hbm4b:s3+s8], $0x80, s14, s8, $0xb8;
	[tilespmem:$0x14280] =	vst v63  }
0x3ea: {  	_ = 	snop  }
0x3eb: {  	[tilespmem:s17], [sflag:$0x1] =	stream.indirect.gather [hbm4b:s3+s8], $0x80, s16, s8, $0xb8;
	[tilespmem:$0x14280] =	vst v63  }
0x3ec: {  	_ =	swait.ge [sflag:s7], $0x4000  }
0x3ed: {  	[sflag:s7] =	ssyncset.done $0x0  }
0x3ee: {  	[sflag:s7] =	ssyncadd.s32 $0xFFFFC000  }
0x3ef: {  	_ =	swait.ge [sflag:s7], $0x4000  }
0x3f0: {  	[sflag:s7] =	ssyncset.done $0x0  }
0x3f1: {  	[sflag:s7] =	ssyncadd.s32 $0xFFFFC000  }
0x3f2: {  	_ =	swait.ge [sflag:s7], $0x4000  }
0x3f3: {  	[sflag:s7] =	ssyncset.done $0x0  }
0x3f4: {  	[sflag:s7] =	ssyncadd.s32 $0xFFFFC000  }
0x3f5: {  	_ =	swait.ge [sflag:s7], $0x4000  }
0x3f6: {  	[sflag:s7] =	ssyncset.done $0x0  }
0x3f7: {  	[sflag:s7] =	ssyncadd.s32 $0xFFFFC000  }
0x3f8: {  	_ =	swait.ge [sflag:s7], $0x4000  }
0x3f9: {  	[sflag:s7] =	ssyncset.done $0x0  }
0x3fa: {  	[sflag:s7] =	ssyncadd.s32 $0xFFFFC000  }
0x3fb: {  	[hbm4b:s24+s2] =	stream.linear.scatter [tilespmem:s6], [sflag:$0x2], $0x14000, $0x38;
	[tilespmem:$0x14280] =	vst v63  }
0x3fc: {  	_ =	swait.ge [sflag:s4], $0x14000  }
0x3fd: {  	[sflag:s4] =	ssyncset.done $0x0  }
0x3fe: {  	[sflag:s4] =	ssyncadd.s32 $0xFFFEC000  }
0x3ff: {  	[tilespmem:s2], [sflag:$0x2] =	stream.linear.gather [hbm4b:s23+s2], $0x280, $0x38;
	[tilespmem:$0x14280] =	vst v63  }
0x400: {  	_ =	swait.ge [sflag:s4], $0x280  }
0x401: {  	[sflag:s4] =	ssyncset.done $0x0  }
0x402: {  	[sflag:s4] =	ssyncadd.s32 $0xFFFFFD80  }
0x403: {  	[tilespmem:s6], [sflag:$0x1] =	stream.indirect.gather [hbm4b:s3+s8], $0x80, s2, s8, $0xb8;
	[tilespmem:$0x14280] =	vst v63  }
0x404: {  	_ = 	snop  }
0x405: {  	[tilespmem:s10], [sflag:$0x1] =	stream.indirect.gather [hbm4b:s3+s8], $0x80, s8, s8, $0xb8;
	[tilespmem:$0x14280] =	vst v63  }
0x406: {  	_ = 	snop  }
0x407: {  	[tilespmem:s13], [sflag:$0x1] =	stream.indirect.gather [hbm4b:s3+s8], $0x80, s11, s8, $0xb8;
	[tilespmem:$0x14280] =	vst v63  }
0x408: {  	_ = 	snop  }
0x409: {  	[tilespmem:s15], [sflag:$0x1] =	stream.indirect.gather [hbm4b:s3+s8], $0x80, s14, s8, $0xb8;
	[tilespmem:$0x14280] =	vst v63  }
0x40a: {  	_ = 	snop  }
0x40b: {  	[tilespmem:s17], [sflag:$0x1] =	stream.indirect.gather [hbm4b:s3+s8], $0x80, s16, s8, $0xb8;
	[tilespmem:$0x14280] =	vst v63  }
0x40c: {  	_ =	swait.ge [sflag:s7], $0x4000  }
0x40d: {  	[sflag:s7] =	ssyncset.done $0x0  }
0x40e: {  	[sflag:s7] =	ssyncadd.s32 $0xFFFFC000  }
0x40f: {  	_ =	swait.ge [sflag:s7], $0x4000  }
0x410: {  	[sflag:s7] =	ssyncset.done $0x0  }
0x411: {  	[sflag:s7] =	ssyncadd.s32 $0xFFFFC000  }
0x412: {  	_ =	swait.ge [sflag:s7], $0x4000  }
0x413: {  	[sflag:s7] =	ssyncset.done $0x0  }
0x414: {  	[sflag:s7] =	ssyncadd.s32 $0xFFFFC000  }
0x415: {  	_ =	swait.ge [sflag:s7], $0x4000  }
0x416: {  	[sflag:s7] =	ssyncset.done $0x0  }
0x417: {  	[sflag:s7] =	ssyncadd.s32 $0xFFFFC000  }
0x418: {  	_ =	swait.ge [sflag:s7], $0x4000  }
0x419: {  	[sflag:s7] =	ssyncset.done $0x0  }
0x41a: {  	[sflag:s7] =	ssyncadd.s32 $0xFFFFC000  }
0x41b: {  	[hbm4b:s22+s2] =	stream.linear.scatter [tilespmem:s6], [sflag:$0x2], $0x14000, $0x38;
	[tilespmem:$0x14280] =	vst v63  }
0x41c: {  	_ =	swait.ge [sflag:s4], $0x14000  }
0x41d: {  	[sflag:s4] =	ssyncset.done $0x0  }
0x41e: {  	s30 =	rddreg [dreg:$0x2];
	[sflag:s4] =	ssyncadd.s32 $0xFFFEC000  }
0x41f: {  	[tilespmem:s2], [sflag:$0x2] =	stream.linear.gather [hbm4b:s30+s2], $0x280, $0x38;
	[tilespmem:$0x14280] =	vst v63  }
0x420: {  	_ =	swait.ge [sflag:s4], $0x280  }
0x421: {  	[sflag:s4] =	ssyncset.done $0x0  }
0x422: {  	[sflag:s4] =	ssyncadd.s32 $0xFFFFFD80  }
0x423: {  	[tilespmem:s6], [sflag:$0x1] =	stream.indirect.gather [hbm4b:s3+s8], $0x80, s2, s8, $0xb8;
	[tilespmem:$0x14280] =	vst v63  }
0x424: {  	_ = 	snop  }
0x425: {  	[tilespmem:s10], [sflag:$0x1] =	stream.indirect.gather [hbm4b:s3+s8], $0x80, s8, s8, $0xb8;
	[tilespmem:$0x14280] =	vst v63  }
0x426: {  	_ = 	snop  }
0x427: {  	[tilespmem:s13], [sflag:$0x1] =	stream.indirect.gather [hbm4b:s3+s8], $0x80, s11, s8, $0xb8;
	[tilespmem:$0x14280] =	vst v63  }
0x428: {  	_ = 	snop  }
0x429: {  	[tilespmem:s15], [sflag:$0x1] =	stream.indirect.gather [hbm4b:s3+s8], $0x80, s14, s8, $0xb8;
	[tilespmem:$0x14280] =	vst v63  }
0x42a: {  	_ = 	snop  }
0x42b: {  	[tilespmem:s17], [sflag:$0x1] =	stream.indirect.gather [hbm4b:s3+s8], $0x80, s16, s8, $0xb8;
	[tilespmem:$0x14280] =	vst v63  }
0x42c: {  	_ =	swait.ge [sflag:s7], $0x4000  }
0x42d: {  	[sflag:s7] =	ssyncset.done $0x0  }
0x42e: {  	[sflag:s7] =	ssyncadd.s32 $0xFFFFC000  }
0x42f: {  	_ =	swait.ge [sflag:s7], $0x4000  }
0x430: {  	[sflag:s7] =	ssyncset.done $0x0  }
0x431: {  	[sflag:s7] =	ssyncadd.s32 $0xFFFFC000  }
0x432: {  	_ =	swait.ge [sflag:s7], $0x4000  }
0x433: {  	[sflag:s7] =	ssyncset.done $0x0  }
0x434: {  	[sflag:s7] =	ssyncadd.s32 $0xFFFFC000  }
0x435: {  	_ =	swait.ge [sflag:s7], $0x4000  }
0x436: {  	[sflag:s7] =	ssyncset.done $0x0  }
0x437: {  	[sflag:s7] =	ssyncadd.s32 $0xFFFFC000  }
0x438: {  	_ =	swait.ge [sflag:s7], $0x4000  }
0x439: {  	[sflag:s7] =	ssyncset.done $0x0  }
0x43a: {  	[sflag:s7] =	ssyncadd.s32 $0xFFFFC000  }
0x43b: {  	[hbm4b:s21+s2] =	stream.linear.scatter [tilespmem:s6], [sflag:$0x2], $0x14000, $0x38;
	[tilespmem:$0x14280] =	vst v63  }
0x43c: {  	_ =	swait.ge [sflag:s4], $0x14000  }
0x43d: {  	[sflag:s4] =	ssyncset.done $0x0  }
0x43e: {  	[sflag:s4] =	ssyncadd.s32 $0xFFFEC000  }
0x43f: {  	[tilespmem:s2], [sflag:$0x2] =	stream.linear.gather [hbm4b:s20+s2], $0x280, $0x38;
	[tilespmem:$0x14280] =	vst v63  }
0x440: {  	_ =	swait.ge [sflag:s4], $0x280  }
0x441: {  	[sflag:s4] =	ssyncset.done $0x0  }
0x442: {  	[sflag:s4] =	ssyncadd.s32 $0xFFFFFD80  }
0x443: {  	[tilespmem:s6], [sflag:$0x1] =	stream.indirect.gather [hbm4b:s3+s8], $0x80, s2, s8, $0xb8;
	[tilespmem:$0x14280] =	vst v63  }
0x444: {  	_ = 	snop  }
0x445: {  	[tilespmem:s10], [sflag:$0x1] =	stream.indirect.gather [hbm4b:s3+s8], $0x80, s8, s8, $0xb8;
	[tilespmem:$0x14280] =	vst v63  }
0x446: {  	_ = 	snop  }
0x447: {  	[tilespmem:s13], [sflag:$0x1] =	stream.indirect.gather [hbm4b:s3+s8], $0x80, s11, s8, $0xb8;
	[tilespmem:$0x14280] =	vst v63  }
0x448: {  	_ = 	snop  }
0x449: {  	[tilespmem:s15], [sflag:$0x1] =	stream.indirect.gather [hbm4b:s3+s8], $0x80, s14, s8, $0xb8;
	[tilespmem:$0x14280] =	vst v63  }
0x44a: {  	_ = 	snop  }
0x44b: {  	[tilespmem:s17], [sflag:$0x1] =	stream.indirect.gather [hbm4b:s3+s8], $0x80, s16, s8, $0xb8;
	[tilespmem:$0x14280] =	vst v63  }
0x44c: {  	_ =	swait.ge [sflag:s7], $0x4000  }
0x44d: {  	[sflag:s7] =	ssyncset.done $0x0  }
0x44e: {  	[sflag:s7] =	ssyncadd.s32 $0xFFFFC000  }
0x44f: {  	_ =	swait.ge [sflag:s7], $0x4000  }
0x450: {  	[sflag:s7] =	ssyncset.done $0x0  }
0x451: {  	[sflag:s7] =	ssyncadd.s32 $0xFFFFC000  }
0x452: {  	_ =	swait.ge [sflag:s7], $0x4000  }
0x453: {  	[sflag:s7] =	ssyncset.done $0x0  }
0x454: {  	[sflag:s7] =	ssyncadd.s32 $0xFFFFC000  }
0x455: {  	_ =	swait.ge [sflag:s7], $0x4000  }
0x456: {  	[sflag:s7] =	ssyncset.done $0x0  }
0x457: {  	[sflag:s7] =	ssyncadd.s32 $0xFFFFC000  }
0x458: {  	_ =	swait.ge [sflag:s7], $0x4000  }
0x459: {  	[sflag:s7] =	ssyncset.done $0x0  }
0x45a: {  	[sflag:s7] =	ssyncadd.s32 $0xFFFFC000  }
0x45b: {  	[hbm4b:s19+s2] =	stream.linear.scatter [tilespmem:s6], [sflag:$0x2], $0x14000, $0x38;
	[tilespmem:$0x14280] =	vst v63  }
0x45c: {  	_ =	swait.ge [sflag:s4], $0x14000  }
0x45d: {  	[sflag:s4] =	ssyncset.done $0x0  }
0x45e: {  	[sflag:s4] =	ssyncadd.s32 $0xFFFEC000  }
0x45f: {  	[tilespmem:s2], [sflag:$0x2] =	stream.linear.gather [hbm4b:s18+s2], $0x280, $0x38;
	[tilespmem:$0x14280] =	vst v63  }
0x460: {  	_ =	swait.ge [sflag:s4], $0x280  }
0x461: {  	[sflag:s4] =	ssyncset.done $0x0  }
0x462: {  	[sflag:s4] =	ssyncadd.s32 $0xFFFFFD80  }
0x463: {  	[tilespmem:s6], [sflag:$0x1] =	stream.indirect.gather [hbm4b:s3+s8], $0x80, s2, s8, $0xb8;
	[tilespmem:$0x14280] =	vst v63  }
0x464: {  	_ = 	snop  }
0x465: {  	[tilespmem:s10], [sflag:$0x1] =	stream.indirect.gather [hbm4b:s3+s8], $0x80, s8, s8, $0xb8;
	[tilespmem:$0x14280] =	vst v63  }
0x466: {  	_ = 	snop  }
0x467: {  	[tilespmem:s13], [sflag:$0x1] =	stream.indirect.gather [hbm4b:s3+s8], $0x80, s11, s8, $0xb8;
	[tilespmem:$0x14280] =	vst v63  }
0x468: {  	_ = 	snop  }
0x469: {  	[tilespmem:s15], [sflag:$0x1] =	stream.indirect.gather [hbm4b:s3+s8], $0x80, s14, s8, $0xb8;
	[tilespmem:$0x14280] =	vst v63  }
0x46a: {  	_ = 	snop  }
0x46b: {  	[tilespmem:s17], [sflag:$0x1] =	stream.indirect.gather [hbm4b:s3+s8], $0x80, s16, s8, $0xb8;
	[tilespmem:$0x14280] =	vst v63  }
0x46c: {  	_ =	swait.ge [sflag:s7], $0x4000  }
0x46d: {  	[sflag:s7] =	ssyncset.done $0x0  }
0x46e: {  	[sflag:s7] =	ssyncadd.s32 $0xFFFFC000  }
0x46f: {  	_ =	swait.ge [sflag:s7], $0x4000  }
0x470: {  	[sflag:s7] =	ssyncset.done $0x0  }
0x471: {  	[sflag:s7] =	ssyncadd.s32 $0xFFFFC000  }
0x472: {  	_ =	swait.ge [sflag:s7], $0x4000  }
0x473: {  	[sflag:s7] =	ssyncset.done $0x0  }
0x474: {  	[sflag:s7] =	ssyncadd.s32 $0xFFFFC000  }
0x475: {  	_ =	swait.ge [sflag:s7], $0x4000  }
0x476: {  	[sflag:s7] =	ssyncset.done $0x0  }
0x477: {  	[sflag:s7] =	ssyncadd.s32 $0xFFFFC000  }
0x478: {  	_ =	swait.ge [sflag:s7], $0x4000  }
0x479: {  	[sflag:s7] =	ssyncset.done $0x0  }
0x47a: {  	[sflag:s7] =	ssyncadd.s32 $0xFFFFC000  }
0x47b: {  	[hbm4b:s12+s2] =	stream.linear.scatter [tilespmem:s6], [sflag:$0x2], $0x14000, $0x38;
	[tilespmem:$0x14280] =	vst v63  }
0x47c: {  	_ =	swait.ge [sflag:s4], $0x14000  }
0x47d: {  	[sflag:s4] =	ssyncset.done $0x0  }
0x47e: {  	[sflag:s4] =	ssyncadd.s32 $0xFFFEC000  }
0x47f: {  	[tilespmem:s2], [sflag:$0x2] =	stream.linear.gather [hbm4b:s9+s2], $0x280, $0x38;
	[tilespmem:$0x14280] =	vst v63  }
0x480: {  	_ =	swait.ge [sflag:s4], $0x280  }
0x481: {  	[sflag:s4] =	ssyncset.done $0x0  }
0x482: {  	[sflag:s4] =	ssyncadd.s32 $0xFFFFFD80  }
0x483: {  	[tilespmem:s6], [sflag:$0x1] =	stream.indirect.gather [hbm4b:s3+s8], $0x80, s2, s8, $0xb8;
	[tilespmem:$0x14280] =	vst v63  }
0x484: {  	_ = 	snop  }
0x485: {  	[tilespmem:s10], [sflag:$0x1] =	stream.indirect.gather [hbm4b:s3+s8], $0x80, s8, s8, $0xb8;
	[tilespmem:$0x14280] =	vst v63  }
0x486: {  	_ = 	snop  }
0x487: {  	[tilespmem:s13], [sflag:$0x1] =	stream.indirect.gather [hbm4b:s3+s8], $0x80, s11, s8, $0xb8;
	[tilespmem:$0x14280] =	vst v63  }
0x488: {  	_ = 	snop  }
0x489: {  	[tilespmem:s15], [sflag:$0x1] =	stream.indirect.gather [hbm4b:s3+s8], $0x80, s14, s8, $0xb8;
	[tilespmem:$0x14280] =	vst v63  }
0x48a: {  	_ = 	snop  }
0x48b: {  	[tilespmem:s17], [sflag:$0x1] =	stream.indirect.gather [hbm4b:s3+s8], $0x80, s16, s8, $0xb8;
	[tilespmem:$0x14280] =	vst v63  }
0x48c: {  	_ =	swait.ge [sflag:s7], $0x4000  }
0x48d: {  	[sflag:s7] =	ssyncset.done $0x0  }
0x48e: {  	[sflag:s7] =	ssyncadd.s32 $0xFFFFC000  }
0x48f: {  	_ =	swait.ge [sflag:s7], $0x4000  }
0x490: {  	[sflag:s7] =	ssyncset.done $0x0  }
0x491: {  	[sflag:s7] =	ssyncadd.s32 $0xFFFFC000  }
0x492: {  	_ =	swait.ge [sflag:s7], $0x4000  }
0x493: {  	[sflag:s7] =	ssyncset.done $0x0  }
0x494: {  	[sflag:s7] =	ssyncadd.s32 $0xFFFFC000  }
0x495: {  	_ =	swait.ge [sflag:s7], $0x4000  }
0x496: {  	[sflag:s7] =	ssyncset.done $0x0  }
0x497: {  	[sflag:s7] =	ssyncadd.s32 $0xFFFFC000  }
0x498: {  	_ =	swait.ge [sflag:s7], $0x4000  }
0x499: {  	[sflag:s7] =	ssyncset.done $0x0  }
0x49a: {  	[sflag:s7] =	ssyncadd.s32 $0xFFFFC000  }
0x49b: {  	[hbm4b:s5+s2] =	stream.linear.scatter [tilespmem:s6], [sflag:$0x2], $0x14000, $0x38;
	[tilespmem:$0x14280] =	vst v63  }
0x49c: {  	_ =	swait.ge [sflag:s4], $0x14000  }
0x49d: {  	[sflag:s4] =	ssyncset.done $0x0  }
0x49e: {  	[sflag:s4] =	ssyncadd.s32 $0xFFFEC000  }
0x49f: {  	_ =	sfence.sel $0x180000  }
0x4a0: {  	[bflag:$0x0] =	sbarrier.arrive $0xFFFF  }
0x4a1: {  	_ =	strace $0x90000047  }
0x4a2: {  	s31 =	stileid.u32;
	[bflag:$0x2] =	sbarrier.arrive $0xFFFF  }
0x4a3: {  	p0 =	sne.s32 s31, $0x0;
	s0 =	rddreg [dreg:$0x1]  }
0x4a4: {  	s0 =	sadd.s32 @!p0 $0x100000, s0  }
0x4a5: {  	[sflag:s0] =	ssyncadd.tile.s32 @!p0 $0x1;
	_ =	shalt  }
.Lfunc_end2:
_tile_overlayer_lowered:
.L_overlay_start_2:
0x4a6: {  	(tag) =	ssettag $0x2  }
0x4a7: {  	s0 =	rddreg [dreg:$0x0];
	s2 =	stileid.u32  }
0x4a8: {  	s1 =	rddreg [dreg:$0x1];
	p0 =	sne.s32 s2, $0x0  }
0x4a9: {  	s3 =	rddreg [dreg:$0x2];
	[bflag:$0x3] =	sbarrier.arrive $0xFFFF;
	s2 =	simm.s32 @!p0 $0x1C02  }
0x4aa: {  	[timem:s3], [sflag:s2] =	dma.local @!p0 [hbm:s0], s1  }
0x4ab: {  	s0 =	simm.s32 @!p0 $0x2  }
0x4ac: {  	_ =	swait.ge @!p0 [sflag:s0], s1  }
0x4ad: {  	s1 =	ssub.s32 @!p0 $0x0, s1;
	[sflag:s0] =	ssyncset.done @!p0 $0x0  }
0x4ae: {  	[sflag:s0] =	ssyncadd.s32 @!p0 s1  }
0x4af: {  	[bflag:$0x3] =	sbarrier.arrive $0xFFFF  }
0x4b0: {  	_ =	shalt  }

</sc_bundles>
